<compile_context>
chip_gen: v7x
topology: tpu7x:2x2x1
jax: 0.10.2.dev20260603
libtpu: 0.0.44.dev20260713+nightly
codegen_flags: <defaults>
</compile_context>

<pallas_src>
import jax
import jax.numpy as jnp
from jax import lax
from jax.experimental import pallas as pl
from jax.experimental.pallas import tpu as pltpu
from jax.experimental.pallas import tpu_sc as plsc

N = 10000
E = 320000
D = 128
UNITS = 128
N_CLASSES = 40

NC = 2
NS = 16
NW = NC * NS

CHUNK = 128
K = 80
KH = K // 2
PAIRS = KH // 2
EPW = K * CHUNK
E_PAD = EPW * NW

ROWS_PW = 640
N_PAD = ROWS_PW * NS
ZCH = ROWS_PW // CHUNK


def _spmm_body(x_hbm, src_hbm, dst_hbm, zrow_hbm, out_hbm,
               src_v, dst_v, rows0, rows1, acc_sh, sem0, sem1):
    c = lax.axis_index("c")
    s = lax.axis_index("s")
    wid = s * NC + c
    base = s * ROWS_PW

    def wait(buf, sem):
        pltpu.make_async_copy(x_hbm.at[pl.ds(0, CHUNK)], buf, sem).wait()

    pltpu.sync_copy(zrow_hbm, rows0)
    for z in range(ZCH):
        pltpu.sync_copy(rows0, acc_sh.at[pl.ds(base + z * CHUNK, CHUNK)])
    plsc.subcore_barrier()

    for h in range(2):
        pltpu.sync_copy(src_hbm.at[wid, pl.ds(h * KH, KH)], src_v)
        pltpu.sync_copy(dst_hbm.at[wid, pl.ds(h * KH, KH)], dst_v)
        pltpu.async_copy(x_hbm.at[src_v.at[0]], rows0, sem0)

        def pair(jj, carry):
            pltpu.async_copy(x_hbm.at[src_v.at[2 * jj + 1]], rows1, sem1)
            wait(rows0, sem0)
            pltpu.sync_copy(rows0, acc_sh.at[dst_v.at[2 * jj]], add=True)

            @pl.when(jj < PAIRS - 1)
            def _():
                pltpu.async_copy(x_hbm.at[src_v.at[2 * jj + 2]], rows0, sem0)

            wait(rows1, sem1)
            pltpu.sync_copy(rows1, acc_sh.at[dst_v.at[2 * jj + 1]], add=True)
            return carry

        lax.fori_loop(0, PAIRS, pair, 0)
    plsc.subcore_barrier()

    for z in range(ZCH):
        r0 = base + z * CHUNK
        pltpu.sync_copy(acc_sh.at[pl.ds(r0, CHUNK)], rows0)
        pltpu.sync_copy(rows0, out_hbm.at[c, pl.ds(r0, CHUNK)])


_spmm_sc = pl.kernel(
    _spmm_body,
    out_type=jax.ShapeDtypeStruct((NC, N_PAD, D), jnp.float32),
    mesh=plsc.VectorSubcoreMesh(core_axis_name="c", subcore_axis_name="s"),
    scratch_types=[
        pltpu.VMEM((KH, CHUNK), jnp.int32),
        pltpu.VMEM((KH, CHUNK), jnp.int32),
        pltpu.VMEM((CHUNK, D), jnp.float32),
        pltpu.VMEM((CHUNK, D), jnp.float32),
        pltpu.VMEM_SHARED((N_PAD, D), jnp.float32),
        pltpu.SemaphoreType.DMA,
        pltpu.SemaphoreType.DMA,
    ],
)


BM = 2000


def _combine_body(p_ref, o_ref):
    o_ref[...] = p_ref[0] + p_ref[1]


def _combine(p):
    return pl.pallas_call(
        _combine_body,
        grid=(N // BM,),
        in_specs=[pl.BlockSpec((NC, BM, D), lambda i: (0, i, 0))],
        out_specs=pl.BlockSpec((BM, D), lambda i: (i, 0)),
        out_shape=jax.ShapeDtypeStruct((N, D), jnp.float32),
    )(p)


def _head_body(h_ref, ah_ref, q_ref, w0_ref, b0_ref, w1_ref, b1_ref,
               w2_ref, b2_ref, wy_ref, by_ref, cur_ref, y_ref):
    a2h = q_ref[0] + q_ref[1]
    h0 = jnp.maximum(
        jnp.dot(h_ref[...], w0_ref[...], preferred_element_type=jnp.float32)
        + b0_ref[...], 0.0)
    h1 = jnp.maximum(
        jnp.dot(ah_ref[...], w1_ref[...], preferred_element_type=jnp.float32)
        + b1_ref[...], 0.0)
    h2 = jnp.maximum(
        jnp.dot(a2h, w2_ref[...], preferred_element_type=jnp.float32)
        + b2_ref[...], 0.0)
    cur_ref[:, 0:UNITS] = h0
    cur_ref[:, UNITS:2 * UNITS] = h1
    cur_ref[:, 2 * UNITS:3 * UNITS] = h2
    logits = (
        jnp.dot(h0, wy_ref[0:UNITS, :], preferred_element_type=jnp.float32)
        + jnp.dot(h1, wy_ref[UNITS:2 * UNITS, :],
                  preferred_element_type=jnp.float32)
        + jnp.dot(h2, wy_ref[2 * UNITS:3 * UNITS, :],
                  preferred_element_type=jnp.float32)
        + by_ref[...])
    m = jnp.max(logits, axis=-1, keepdims=True)
    e = jnp.exp(logits - m)
    y_ref[...] = e / jnp.sum(e, axis=-1, keepdims=True)


def _head(h, ah, q, w0, b0, w1, b1, w2, b2, wy, by):
    full = lambda shape: pl.BlockSpec(shape, lambda i: tuple(0 for _ in shape))
    return pl.pallas_call(
        _head_body,
        grid=(N // BM,),
        in_specs=[
            pl.BlockSpec((BM, D), lambda i: (i, 0)),
            pl.BlockSpec((BM, D), lambda i: (i, 0)),
            pl.BlockSpec((NC, BM, D), lambda i: (0, i, 0)),
            full((D, UNITS)), full((1, UNITS)),
            full((D, UNITS)), full((1, UNITS)),
            full((D, UNITS)), full((1, UNITS)),
            full((3 * UNITS, N_CLASSES)), full((1, N_CLASSES)),
        ],
        out_specs=[
            pl.BlockSpec((BM, 3 * UNITS), lambda i: (i, 0)),
            pl.BlockSpec((BM, N_CLASSES), lambda i: (i, 0)),
        ],
        out_shape=[
            jax.ShapeDtypeStruct((N, 3 * UNITS), jnp.float32),
            jax.ShapeDtypeStruct((N, N_CLASSES), jnp.float32),
        ],
    )(h, ah, q, w0, b0, w1, b1, w2, b2, wy, by)


def kernel(edge_index, H, y_true, inds, W0, b0, W1, b1, W2, b2, Wy, by):
    src = edge_index[0].astype(jnp.int32)
    dst = edge_index[1].astype(jnp.int32)
    pad = E_PAD - E

    ppw = EPW - E // NW
    pad_src = (jnp.arange(pad, dtype=jnp.int32) * 521) % N
    pad_dst = N + (jnp.arange(pad, dtype=jnp.int32) % (N_PAD - N))

    def split(idx, pads):
        w = idx.reshape(NW, E // NW)
        p = pads.reshape(NW, ppw)
        return jnp.concatenate([w, p], axis=1).reshape(NW, K, CHUNK)

    src_p = split(src, pad_src)
    dst_p = split(dst, pad_dst)
    zrow = jnp.zeros((CHUNK, D), jnp.float32)

    P = _spmm_sc(H, src_p, dst_p, zrow)
    AH = _combine(P)
    Q = _spmm_sc(AH, src_p, dst_p, zrow)
    current_H, y_pred = _head(
        H, AH, Q[:, :N, :], W0, b0.reshape(1, UNITS), W1,
        b1.reshape(1, UNITS), W2, b2.reshape(1, UNITS), Wy,
        by.reshape(1, N_CLASSES))
    return (current_H, y_pred)

# --- scband reference (transcript-rebuilt; emitter-appended) ---
"""Pipeline reference for scband-tf2-full-model-65730179498165 (READ-ONLY COPY).

The authoritative reference and input builder live on the scoring server;
editing this copy changes nothing except your own understanding.
"""

import jax, jax.numpy as jnp
import numpy as np

N = 10000
E = 320000
D = 128
UNITS = 128
N_CLASSES = 40


def spmm(edge_index, X, n):
    # sparse adjacency (binary) matmul: (A @ X) via gather + scatter-add
    src = edge_index[0]
    dst = edge_index[1]
    return jax.ops.segment_sum(X[src], dst, num_segments=n)


def setup_inputs(seed: int = 0):
    key = jax.random.key(seed)
    ks = jax.random.split(key, 12)
    edge_index = jax.random.randint(ks[0], (2, E), 0, N)
    H = jax.random.normal(ks[1], (N, D), dtype=jnp.float32)
    y_true = jax.random.uniform(ks[2], (N, N_CLASSES), dtype=jnp.float32)
    inds = jax.random.randint(ks[3], (N,), 0, N)
    W0 = jax.random.normal(ks[4], (D, UNITS), dtype=jnp.float32) * 0.05
    b0 = jnp.zeros((UNITS,), dtype=jnp.float32)
    W1 = jax.random.normal(ks[5], (D, UNITS), dtype=jnp.float32) * 0.05
    b1 = jnp.zeros((UNITS,), dtype=jnp.float32)
    W2 = jax.random.normal(ks[6], (D, UNITS), dtype=jnp.float32) * 0.05
    b2 = jnp.zeros((UNITS,), dtype=jnp.float32)
    Wy = jax.random.normal(ks[7], (3 * UNITS, N_CLASSES), dtype=jnp.float32) * 0.05
    by = jnp.zeros((N_CLASSES,), dtype=jnp.float32)
    return {"edge_index": edge_index, "H": H, "y_true": y_true, "inds": inds,
            "W0": W0, "b0": b0, "W1": W1, "b1": b1, "W2": W2, "b2": b2,
            "Wy": Wy, "by": by}


def reference(edge_index, H, y_true, inds, W0, b0, W1, b1, W2, b2, Wy, by):
    # MixHop block: for k in 0..mix_hops, compute A^k @ H then Dense+relu, concat.
    # k = 0: A^0 @ H = H
    h0 = jax.nn.relu(H @ W0 + b0)
    # k = 1: A @ H
    AH = spmm(edge_index, H, N)
    h1 = jax.nn.relu(AH @ W1 + b1)
    # k = 2: A^2 @ H = A @ (A @ H)
    A2H = spmm(edge_index, AH, N)
    h2 = jax.nn.relu(A2H @ W2 + b2)
    current_H = jnp.concatenate([h0, h1, h2], axis=-1)
    # extra_fc disabled (_extra_fc=0); label head softmax (_label_unique=40 > 1)
    y_pred = jax.nn.softmax(current_H @ Wy + by, axis=-1)
    return (current_H, y_pred)

if __name__ == "__main__":
    import jax
    _d = setup_inputs()
    print(jax.jit(kernel)(*tuple(_d.values())))

</pallas_src>

<mosaic_0001>
#map = affine_map<(d0, d1) -> (0, 0)>
#map1 = affine_map<(d0, d1) -> (0, 0, 0)>
module attributes {stable_mosaic.version = 14 : i64} {
  func.func @_spmm_body(%arg0: i32, %arg1: i32, %arg2: memref<10000x128xf32, #tpu.memory_space<hbm>>, %arg3: memref<32x80x128xi32, #tpu.memory_space<hbm>>, %arg4: memref<32x80x128xi32, #tpu.memory_space<hbm>>, %arg5: memref<128x128xf32, #tpu.memory_space<hbm>>, %arg6: memref<2x10240x128xf32, #tpu.memory_space<hbm>>, %arg7: memref<40x128xi32, #tpu.memory_space<vmem>>, %arg8: memref<40x128xi32, #tpu.memory_space<vmem>>, %arg9: memref<128x128xf32, #tpu.memory_space<vmem>>, %arg10: memref<128x128xf32, #tpu.memory_space<vmem>>, %arg11: memref<10240x128xf32, #tpu.memory_space<vmem_shared>>, %arg12: memref<!tpu.dma_semaphore, #tpu.memory_space<semaphore_mem>>, %arg13: memref<!tpu.dma_semaphore, #tpu.memory_space<semaphore_mem>>) attributes {dimension_semantics = [#tpu.dimension_semantics<core_parallel>, #tpu.dimension_semantics<subcore_parallel>], iteration_bounds = array<i64: 2, 16>, scalar_prefetch = 0 : i64, scratch_operands = 7 : i64, tpu.core_type = #tpu.core_type<sc_vector_subcore>, window_params = [{transform_indices = #map}, {transform_indices = #map1}, {transform_indices = #map1}, {transform_indices = #map}, {transform_indices = #map1}]} {
    %mul3A = arith.constant 2 : i32
    %mul3A_0 = arith.muli %arg1, %mul3A : i32
    %add3A = arith.addi %mul3A_0, %arg0 : i32
    %mul3A_1 = arith.constant 640 : i32
    %mul3A_2 = arith.muli %arg1, %mul3A_1 : i32
    "tpu.region"() ({
      %run_scoped3A = tpu.sem_alloc : memref<!tpu.dma_semaphore, #tpu.memory_space<semaphore_mem>>
      tpu.enqueue_dma source(%arg5 : memref<128x128xf32, #tpu.memory_space<hbm>>) target(%arg9 : memref<128x128xf32, #tpu.memory_space<vmem>>) target_semaphore(%run_scoped3A : memref<!tpu.dma_semaphore, #tpu.memory_space<semaphore_mem>>)
      tpu.wait_dma2 semaphore(%run_scoped3A : memref<!tpu.dma_semaphore, #tpu.memory_space<semaphore_mem>>) src(%arg5 : memref<128x128xf32, #tpu.memory_space<hbm>>) dst(%arg9 : memref<128x128xf32, #tpu.memory_space<vmem>>)
      tpu.yield
    }) : () -> ()
    %add3A_3 = arith.constant 0 : i32
    %add3A_4 = arith.addi %mul3A_2, %add3A_3 : i32
    "tpu.region"() ({
      %run_scoped3A = tpu.sem_alloc : memref<!tpu.dma_semaphore, #tpu.memory_space<semaphore_mem>>
      %dma_start3A_48 = arith.constant 0 : i32
      %dma_start3A_49 = tpu.memref_slice %arg11[%add3A_4, %dma_start3A_48] : memref<10240x128xf32, #tpu.memory_space<vmem_shared>> -> memref<128x128xf32, #tpu.memory_space<vmem_shared>>
      %dma_start3A_50 = arith.constant 0 : i32
      %dma_start3A_51 = tpu.memref_slice %arg11[%add3A_4, %dma_start3A_50] : memref<10240x128xf32, #tpu.memory_space<vmem_shared>> -> memref<128x128xf32, #tpu.memory_space<vmem_shared>>
      tpu.enqueue_dma source(%arg9 : memref<128x128xf32, #tpu.memory_space<vmem>>) target(%dma_start3A_51 : memref<128x128xf32, #tpu.memory_space<vmem_shared>>) target_semaphore(%run_scoped3A : memref<!tpu.dma_semaphore, #tpu.memory_space<semaphore_mem>>)
      %dma_wait3A = arith.constant 0 : i32
      %dma_wait3A_52 = tpu.memref_slice %arg11[%add3A_4, %dma_wait3A] : memref<10240x128xf32, #tpu.memory_space<vmem_shared>> -> memref<128x128xf32, #tpu.memory_space<vmem_shared>>
      %dma_wait3A_53 = arith.constant 0 : i32
      %dma_wait3A_54 = tpu.memref_slice %arg11[%add3A_4, %dma_wait3A_53] : memref<10240x128xf32, #tpu.memory_space<vmem_shared>> -> memref<128x128xf32, #tpu.memory_space<vmem_shared>>
      tpu.wait_dma2 semaphore(%run_scoped3A : memref<!tpu.dma_semaphore, #tpu.memory_space<semaphore_mem>>) src(%arg9 : memref<128x128xf32, #tpu.memory_space<vmem>>) dst(%dma_wait3A_54 : memref<128x128xf32, #tpu.memory_space<vmem_shared>>)
      tpu.yield
    }) : () -> ()
    %add3A_5 = arith.constant 128 : i32
    %add3A_6 = arith.addi %mul3A_2, %add3A_5 : i32
    "tpu.region"() ({
      %run_scoped3A = tpu.sem_alloc : memref<!tpu.dma_semaphore, #tpu.memory_space<semaphore_mem>>
      %dma_start3A_48 = arith.constant 0 : i32
      %dma_start3A_49 = tpu.memref_slice %arg11[%add3A_6, %dma_start3A_48] : memref<10240x128xf32, #tpu.memory_space<vmem_shared>> -> memref<128x128xf32, #tpu.memory_space<vmem_shared>>
      %dma_start3A_50 = arith.constant 0 : i32
      %dma_start3A_51 = tpu.memref_slice %arg11[%add3A_6, %dma_start3A_50] : memref<10240x128xf32, #tpu.memory_space<vmem_shared>> -> memref<128x128xf32, #tpu.memory_space<vmem_shared>>
      tpu.enqueue_dma source(%arg9 : memref<128x128xf32, #tpu.memory_space<vmem>>) target(%dma_start3A_51 : memref<128x128xf32, #tpu.memory_space<vmem_shared>>) target_semaphore(%run_scoped3A : memref<!tpu.dma_semaphore, #tpu.memory_space<semaphore_mem>>)
      %dma_wait3A = arith.constant 0 : i32
      %dma_wait3A_52 = tpu.memref_slice %arg11[%add3A_6, %dma_wait3A] : memref<10240x128xf32, #tpu.memory_space<vmem_shared>> -> memref<128x128xf32, #tpu.memory_space<vmem_shared>>
      %dma_wait3A_53 = arith.constant 0 : i32
      %dma_wait3A_54 = tpu.memref_slice %arg11[%add3A_6, %dma_wait3A_53] : memref<10240x128xf32, #tpu.memory_space<vmem_shared>> -> memref<128x128xf32, #tpu.memory_space<vmem_shared>>
      tpu.wait_dma2 semaphore(%run_scoped3A : memref<!tpu.dma_semaphore, #tpu.memory_space<semaphore_mem>>) src(%arg9 : memref<128x128xf32, #tpu.memory_space<vmem>>) dst(%dma_wait3A_54 : memref<128x128xf32, #tpu.memory_space<vmem_shared>>)
      tpu.yield
    }) : () -> ()
    %add3A_7 = arith.constant 256 : i32
    %add3A_8 = arith.addi %mul3A_2, %add3A_7 : i32
    "tpu.region"() ({
      %run_scoped3A = tpu.sem_alloc : memref<!tpu.dma_semaphore, #tpu.memory_space<semaphore_mem>>
      %dma_start3A_48 = arith.constant 0 : i32
      %dma_start3A_49 = tpu.memref_slice %arg11[%add3A_8, %dma_start3A_48] : memref<10240x128xf32, #tpu.memory_space<vmem_shared>> -> memref<128x128xf32, #tpu.memory_space<vmem_shared>>
      %dma_start3A_50 = arith.constant 0 : i32
      %dma_start3A_51 = tpu.memref_slice %arg11[%add3A_8, %dma_start3A_50] : memref<10240x128xf32, #tpu.memory_space<vmem_shared>> -> memref<128x128xf32, #tpu.memory_space<vmem_shared>>
      tpu.enqueue_dma source(%arg9 : memref<128x128xf32, #tpu.memory_space<vmem>>) target(%dma_start3A_51 : memref<128x128xf32, #tpu.memory_space<vmem_shared>>) target_semaphore(%run_scoped3A : memref<!tpu.dma_semaphore, #tpu.memory_space<semaphore_mem>>)
      %dma_wait3A = arith.constant 0 : i32
      %dma_wait3A_52 = tpu.memref_slice %arg11[%add3A_8, %dma_wait3A] : memref<10240x128xf32, #tpu.memory_space<vmem_shared>> -> memref<128x128xf32, #tpu.memory_space<vmem_shared>>
      %dma_wait3A_53 = arith.constant 0 : i32
      %dma_wait3A_54 = tpu.memref_slice %arg11[%add3A_8, %dma_wait3A_53] : memref<10240x128xf32, #tpu.memory_space<vmem_shared>> -> memref<128x128xf32, #tpu.memory_space<vmem_shared>>
      tpu.wait_dma2 semaphore(%run_scoped3A : memref<!tpu.dma_semaphore, #tpu.memory_space<semaphore_mem>>) src(%arg9 : memref<128x128xf32, #tpu.memory_space<vmem>>) dst(%dma_wait3A_54 : memref<128x128xf32, #tpu.memory_space<vmem_shared>>)
      tpu.yield
    }) : () -> ()
    %add3A_9 = arith.constant 384 : i32
    %add3A_10 = arith.addi %mul3A_2, %add3A_9 : i32
    "tpu.region"() ({
      %run_scoped3A = tpu.sem_alloc : memref<!tpu.dma_semaphore, #tpu.memory_space<semaphore_mem>>
      %dma_start3A_48 = arith.constant 0 : i32
      %dma_start3A_49 = tpu.memref_slice %arg11[%add3A_10, %dma_start3A_48] : memref<10240x128xf32, #tpu.memory_space<vmem_shared>> -> memref<128x128xf32, #tpu.memory_space<vmem_shared>>
      %dma_start3A_50 = arith.constant 0 : i32
      %dma_start3A_51 = tpu.memref_slice %arg11[%add3A_10, %dma_start3A_50] : memref<10240x128xf32, #tpu.memory_space<vmem_shared>> -> memref<128x128xf32, #tpu.memory_space<vmem_shared>>
      tpu.enqueue_dma source(%arg9 : memref<128x128xf32, #tpu.memory_space<vmem>>) target(%dma_start3A_51 : memref<128x128xf32, #tpu.memory_space<vmem_shared>>) target_semaphore(%run_scoped3A : memref<!tpu.dma_semaphore, #tpu.memory_space<semaphore_mem>>)
      %dma_wait3A = arith.constant 0 : i32
      %dma_wait3A_52 = tpu.memref_slice %arg11[%add3A_10, %dma_wait3A] : memref<10240x128xf32, #tpu.memory_space<vmem_shared>> -> memref<128x128xf32, #tpu.memory_space<vmem_shared>>
      %dma_wait3A_53 = arith.constant 0 : i32
      %dma_wait3A_54 = tpu.memref_slice %arg11[%add3A_10, %dma_wait3A_53] : memref<10240x128xf32, #tpu.memory_space<vmem_shared>> -> memref<128x128xf32, #tpu.memory_space<vmem_shared>>
      tpu.wait_dma2 semaphore(%run_scoped3A : memref<!tpu.dma_semaphore, #tpu.memory_space<semaphore_mem>>) src(%arg9 : memref<128x128xf32, #tpu.memory_space<vmem>>) dst(%dma_wait3A_54 : memref<128x128xf32, #tpu.memory_space<vmem_shared>>)
      tpu.yield
    }) : () -> ()
    %add3A_11 = arith.constant 512 : i32
    %add3A_12 = arith.addi %mul3A_2, %add3A_11 : i32
    "tpu.region"() ({
      %run_scoped3A = tpu.sem_alloc : memref<!tpu.dma_semaphore, #tpu.memory_space<semaphore_mem>>
      %dma_start3A_48 = arith.constant 0 : i32
      %dma_start3A_49 = tpu.memref_slice %arg11[%add3A_12, %dma_start3A_48] : memref<10240x128xf32, #tpu.memory_space<vmem_shared>> -> memref<128x128xf32, #tpu.memory_space<vmem_shared>>
      %dma_start3A_50 = arith.constant 0 : i32
      %dma_start3A_51 = tpu.memref_slice %arg11[%add3A_12, %dma_start3A_50] : memref<10240x128xf32, #tpu.memory_space<vmem_shared>> -> memref<128x128xf32, #tpu.memory_space<vmem_shared>>
      tpu.enqueue_dma source(%arg9 : memref<128x128xf32, #tpu.memory_space<vmem>>) target(%dma_start3A_51 : memref<128x128xf32, #tpu.memory_space<vmem_shared>>) target_semaphore(%run_scoped3A : memref<!tpu.dma_semaphore, #tpu.memory_space<semaphore_mem>>)
      %dma_wait3A = arith.constant 0 : i32
      %dma_wait3A_52 = tpu.memref_slice %arg11[%add3A_12, %dma_wait3A] : memref<10240x128xf32, #tpu.memory_space<vmem_shared>> -> memref<128x128xf32, #tpu.memory_space<vmem_shared>>
      %dma_wait3A_53 = arith.constant 0 : i32
      %dma_wait3A_54 = tpu.memref_slice %arg11[%add3A_12, %dma_wait3A_53] : memref<10240x128xf32, #tpu.memory_space<vmem_shared>> -> memref<128x128xf32, #tpu.memory_space<vmem_shared>>
      tpu.wait_dma2 semaphore(%run_scoped3A : memref<!tpu.dma_semaphore, #tpu.memory_space<semaphore_mem>>) src(%arg9 : memref<128x128xf32, #tpu.memory_space<vmem>>) dst(%dma_wait3A_54 : memref<128x128xf32, #tpu.memory_space<vmem_shared>>)
      tpu.yield
    }) : () -> ()
    %barrier3A = arith.constant 0 : index
    tpu.barrier barrier_id(%barrier3A)
    "tpu.region"() ({
      %run_scoped3A = tpu.sem_alloc : memref<!tpu.dma_semaphore, #tpu.memory_space<semaphore_mem>>
      %dma_start3A_48 = arith.constant 0 : i32
      %dma_start3A_49 = arith.constant 0 : i32
      %dma_start3A_50 = tpu.memref_slice %arg3[%add3A, %dma_start3A_48, %dma_start3A_49] : memref<32x80x128xi32, #tpu.memory_space<hbm>> -> memref<1x40x128xi32, #tpu.memory_space<hbm>>
      %dma_start3A_51 = tpu.memref_squeeze %dma_start3A_50 : memref<1x40x128xi32, #tpu.memory_space<hbm>> -> memref<40x128xi32, #tpu.memory_space<hbm>>
      %dma_start3A_52 = arith.constant 0 : i32
      %dma_start3A_53 = arith.constant 0 : i32
      %dma_start3A_54 = tpu.memref_slice %arg3[%add3A, %dma_start3A_52, %dma_start3A_53] : memref<32x80x128xi32, #tpu.memory_space<hbm>> -> memref<1x40x128xi32, #tpu.memory_space<hbm>>
      %dma_start3A_55 = tpu.memref_squeeze %dma_start3A_54 : memref<1x40x128xi32, #tpu.memory_space<hbm>> -> memref<40x128xi32, #tpu.memory_space<hbm>>
      tpu.enqueue_dma source(%dma_start3A_55 : memref<40x128xi32, #tpu.memory_space<hbm>>) target(%arg7 : memref<40x128xi32, #tpu.memory_space<vmem>>) target_semaphore(%run_scoped3A : memref<!tpu.dma_semaphore, #tpu.memory_space<semaphore_mem>>)
      %dma_wait3A = arith.constant 0 : i32
      %dma_wait3A_56 = arith.constant 0 : i32
      %dma_wait3A_57 = tpu.memref_slice %arg3[%add3A, %dma_wait3A, %dma_wait3A_56] : memref<32x80x128xi32, #tpu.memory_space<hbm>> -> memref<1x40x128xi32, #tpu.memory_space<hbm>>
      %dma_wait3A_58 = tpu.memref_squeeze %dma_wait3A_57 : memref<1x40x128xi32, #tpu.memory_space<hbm>> -> memref<40x128xi32, #tpu.memory_space<hbm>>
      %dma_wait3A_59 = arith.constant 0 : i32
      %dma_wait3A_60 = arith.constant 0 : i32
      %dma_wait3A_61 = tpu.memref_slice %arg3[%add3A, %dma_wait3A_59, %dma_wait3A_60] : memref<32x80x128xi32, #tpu.memory_space<hbm>> -> memref<1x40x128xi32, #tpu.memory_space<hbm>>
      %dma_wait3A_62 = tpu.memref_squeeze %dma_wait3A_61 : memref<1x40x128xi32, #tpu.memory_space<hbm>> -> memref<40x128xi32, #tpu.memory_space<hbm>>
      tpu.wait_dma2 semaphore(%run_scoped3A : memref<!tpu.dma_semaphore, #tpu.memory_space<semaphore_mem>>) src(%dma_wait3A_62 : memref<40x128xi32, #tpu.memory_space<hbm>>) dst(%arg7 : memref<40x128xi32, #tpu.memory_space<vmem>>)
      tpu.yield
    }) : () -> ()
    "tpu.region"() ({
      %run_scoped3A = tpu.sem_alloc : memref<!tpu.dma_semaphore, #tpu.memory_space<semaphore_mem>>
      %dma_start3A_48 = arith.constant 0 : i32
      %dma_start3A_49 = arith.constant 0 : i32
      %dma_start3A_50 = tpu.memref_slice %arg4[%add3A, %dma_start3A_48, %dma_start3A_49] : memref<32x80x128xi32, #tpu.memory_space<hbm>> -> memref<1x40x128xi32, #tpu.memory_space<hbm>>
      %dma_start3A_51 = tpu.memref_squeeze %dma_start3A_50 : memref<1x40x128xi32, #tpu.memory_space<hbm>> -> memref<40x128xi32, #tpu.memory_space<hbm>>
      %dma_start3A_52 = arith.constant 0 : i32
      %dma_start3A_53 = arith.constant 0 : i32
      %dma_start3A_54 = tpu.memref_slice %arg4[%add3A, %dma_start3A_52, %dma_start3A_53] : memref<32x80x128xi32, #tpu.memory_space<hbm>> -> memref<1x40x128xi32, #tpu.memory_space<hbm>>
      %dma_start3A_55 = tpu.memref_squeeze %dma_start3A_54 : memref<1x40x128xi32, #tpu.memory_space<hbm>> -> memref<40x128xi32, #tpu.memory_space<hbm>>
      tpu.enqueue_dma source(%dma_start3A_55 : memref<40x128xi32, #tpu.memory_space<hbm>>) target(%arg8 : memref<40x128xi32, #tpu.memory_space<vmem>>) target_semaphore(%run_scoped3A : memref<!tpu.dma_semaphore, #tpu.memory_space<semaphore_mem>>)
      %dma_wait3A = arith.constant 0 : i32
      %dma_wait3A_56 = arith.constant 0 : i32
      %dma_wait3A_57 = tpu.memref_slice %arg4[%add3A, %dma_wait3A, %dma_wait3A_56] : memref<32x80x128xi32, #tpu.memory_space<hbm>> -> memref<1x40x128xi32, #tpu.memory_space<hbm>>
      %dma_wait3A_58 = tpu.memref_squeeze %dma_wait3A_57 : memref<1x40x128xi32, #tpu.memory_space<hbm>> -> memref<40x128xi32, #tpu.memory_space<hbm>>
      %dma_wait3A_59 = arith.constant 0 : i32
      %dma_wait3A_60 = arith.constant 0 : i32
      %dma_wait3A_61 = tpu.memref_slice %arg4[%add3A, %dma_wait3A_59, %dma_wait3A_60] : memref<32x80x128xi32, #tpu.memory_space<hbm>> -> memref<1x40x128xi32, #tpu.memory_space<hbm>>
      %dma_wait3A_62 = tpu.memref_squeeze %dma_wait3A_61 : memref<1x40x128xi32, #tpu.memory_space<hbm>> -> memref<40x128xi32, #tpu.memory_space<hbm>>
      tpu.wait_dma2 semaphore(%run_scoped3A : memref<!tpu.dma_semaphore, #tpu.memory_space<semaphore_mem>>) src(%dma_wait3A_62 : memref<40x128xi32, #tpu.memory_space<hbm>>) dst(%arg8 : memref<40x128xi32, #tpu.memory_space<vmem>>)
      tpu.yield
    }) : () -> ()
    %dma_start3A = arith.constant 0 : i32
    %dma_start3A_13 = arith.constant 0 : i32
    %dma_start3A_14 = tpu.memref_slice %arg7[%dma_start3A, %dma_start3A_13] : memref<40x128xi32, #tpu.memory_space<vmem>> -> memref<1x128xi32, #tpu.memory_space<vmem>>
    %dma_start3A_15 = tpu.memref_squeeze %dma_start3A_14 : memref<1x128xi32, #tpu.memory_space<vmem>> -> memref<128xi32, #tpu.memory_space<vmem>>
    %dma_start3A_16 = arith.constant 0 : i32
    %dma_start3A_17 = arith.constant 0 : i32
    %dma_start3A_18 = tpu.memref_slice %arg2[%dma_start3A_16, %dma_start3A_17] : memref<10000x128xf32, #tpu.memory_space<hbm>> -> memref<10000x128xf32, #tpu.memory_space<hbm>>
    tpu.enqueue_indirect_dma source(%dma_start3A_18 : memref<10000x128xf32, #tpu.memory_space<hbm>>) target(%arg9 : memref<128x128xf32, #tpu.memory_space<vmem>>) offsets(%dma_start3A_15 : memref<128xi32, #tpu.memory_space<vmem>>) semaphore(%arg12 : memref<!tpu.dma_semaphore, #tpu.memory_space<semaphore_mem>>)
    %scan3A = arith.constant 0 : i32
    %scan3A_19 = arith.constant 0 : i32
    %scan3A_20 = arith.constant 20 : i32
    %scan3A_21 = arith.addi %scan3A_19, %scan3A_20 : i32
    %scan3A_22 = arith.constant 1 : i32
    scf.for %scan3A_48 = %scan3A_19 to %scan3A_21 step %scan3A_22  : i32 {
      %mul3A_49 = arith.constant 2 : i32
      %mul3A_50 = arith.muli %mul3A_49, %scan3A_48 : i32
      %add3A_51 = arith.constant 1 : i32
      %add3A_52 = arith.addi %mul3A_50, %add3A_51 : i32
      %dma_start3A_53 = arith.constant 0 : i32
      %dma_start3A_54 = tpu.memref_slice %arg7[%add3A_52, %dma_start3A_53] : memref<40x128xi32, #tpu.memory_space<vmem>> -> memref<1x128xi32, #tpu.memory_space<vmem>>
      %dma_start3A_55 = tpu.memref_squeeze %dma_start3A_54 : memref<1x128xi32, #tpu.memory_space<vmem>> -> memref<128xi32, #tpu.memory_space<vmem>>
      %dma_start3A_56 = arith.constant 0 : i32
      %dma_start3A_57 = arith.constant 0 : i32
      %dma_start3A_58 = tpu.memref_slice %arg2[%dma_start3A_56, %dma_start3A_57] : memref<10000x128xf32, #tpu.memory_space<hbm>> -> memref<10000x128xf32, #tpu.memory_space<hbm>>
      tpu.enqueue_indirect_dma source(%dma_start3A_58 : memref<10000x128xf32, #tpu.memory_space<hbm>>) target(%arg10 : memref<128x128xf32, #tpu.memory_space<vmem>>) offsets(%dma_start3A_55 : memref<128xi32, #tpu.memory_space<vmem>>) semaphore(%arg13 : memref<!tpu.dma_semaphore, #tpu.memory_space<semaphore_mem>>)
      %dma_wait3A = arith.constant 0 : i32
      %dma_wait3A_59 = arith.constant 0 : i32
      %dma_wait3A_60 = tpu.memref_slice %arg2[%dma_wait3A, %dma_wait3A_59] : memref<10000x128xf32, #tpu.memory_space<hbm>> -> memref<128x128xf32, #tpu.memory_space<hbm>>
      %dma_wait3A_61 = arith.constant 0 : i32
      %dma_wait3A_62 = arith.constant 0 : i32
      %dma_wait3A_63 = tpu.memref_slice %arg2[%dma_wait3A_61, %dma_wait3A_62] : memref<10000x128xf32, #tpu.memory_space<hbm>> -> memref<128x128xf32, #tpu.memory_space<hbm>>
      tpu.wait_dma2 semaphore(%arg12 : memref<!tpu.dma_semaphore, #tpu.memory_space<semaphore_mem>>) src(%dma_wait3A_63 : memref<128x128xf32, #tpu.memory_space<hbm>>) dst(%arg9 : memref<128x128xf32, #tpu.memory_space<vmem>>)
      %mul3A_64 = arith.constant 2 : i32
      %mul3A_65 = arith.muli %mul3A_64, %scan3A_48 : i32
      "tpu.region"() ({
        %run_scoped3A = tpu.sem_alloc : memref<!tpu.dma_semaphore, #tpu.memory_space<semaphore_mem>>
        %dma_start3A_78 = arith.constant 0 : i32
        %dma_start3A_79 = tpu.memref_slice %arg8[%mul3A_65, %dma_start3A_78] : memref<40x128xi32, #tpu.memory_space<vmem>> -> memref<1x128xi32, #tpu.memory_space<vmem>>
        %dma_start3A_80 = tpu.memref_squeeze %dma_start3A_79 : memref<1x128xi32, #tpu.memory_space<vmem>> -> memref<128xi32, #tpu.memory_space<vmem>>
        %dma_start3A_81 = arith.constant 0 : i32
        %dma_start3A_82 = arith.constant 0 : i32
        %dma_start3A_83 = tpu.memref_slice %arg11[%dma_start3A_81, %dma_start3A_82] : memref<10240x128xf32, #tpu.memory_space<vmem_shared>> -> memref<10240x128xf32, #tpu.memory_space<vmem_shared>>
        tpu.enqueue_indirect_dma source(%arg9 : memref<128x128xf32, #tpu.memory_space<vmem>>) target(%dma_start3A_83 : memref<10240x128xf32, #tpu.memory_space<vmem_shared>>) offsets(%dma_start3A_80 : memref<128xi32, #tpu.memory_space<vmem>>) semaphore(%run_scoped3A : memref<!tpu.dma_semaphore, #tpu.memory_space<semaphore_mem>>) {add = true}
        %dma_wait3A_84 = arith.constant 0 : i32
        %dma_wait3A_85 = tpu.memref_slice %arg8[%mul3A_65, %dma_wait3A_84] : memref<40x128xi32, #tpu.memory_space<vmem>> -> memref<1x128xi32, #tpu.memory_space<vmem>>
        %dma_wait3A_86 = tpu.memref_squeeze %dma_wait3A_85 : memref<1x128xi32, #tpu.memory_space<vmem>> -> memref<128xi32, #tpu.memory_space<vmem>>
        %dma_wait3A_87 = arith.constant 0 : i32
        %dma_wait3A_88 = arith.constant 0 : i32
        %dma_wait3A_89 = tpu.memref_slice %arg11[%dma_wait3A_87, %dma_wait3A_88] : memref<10240x128xf32, #tpu.memory_space<vmem_shared>> -> memref<10240x128xf32, #tpu.memory_space<vmem_shared>>
        tpu.wait_indirect_dma semaphore(%run_scoped3A : memref<!tpu.dma_semaphore, #tpu.memory_space<semaphore_mem>>) src(%arg9 : memref<128x128xf32, #tpu.memory_space<vmem>>) dst(%dma_wait3A_89 : memref<10240x128xf32, #tpu.memory_space<vmem_shared>>)
        tpu.yield
      }) : () -> ()
      %lt3A = arith.constant 19 : i32
      %lt3A_66 = arith.cmpi slt, %scan3A_48, %lt3A : i32
      %convert_element_type3A = arith.extui %lt3A_66 : i1 to i32
      %cond3A = arith.constant 0 : i32
      %cond3A_67 = arith.cmpi ne, %convert_element_type3A, %cond3A : i32
      scf.if %cond3A_67 {
        %mul3A_78 = arith.constant 2 : i32
        %mul3A_79 = arith.muli %mul3A_78, %scan3A_48 : i32
        %add3A_80 = arith.constant 2 : i32
        %add3A_81 = arith.addi %mul3A_79, %add3A_80 : i32
        %dma_start3A_82 = arith.constant 0 : i32
        %dma_start3A_83 = tpu.memref_slice %arg7[%add3A_81, %dma_start3A_82] : memref<40x128xi32, #tpu.memory_space<vmem>> -> memref<1x128xi32, #tpu.memory_space<vmem>>
        %dma_start3A_84 = tpu.memref_squeeze %dma_start3A_83 : memref<1x128xi32, #tpu.memory_space<vmem>> -> memref<128xi32, #tpu.memory_space<vmem>>
        %dma_start3A_85 = arith.constant 0 : i32
        %dma_start3A_86 = arith.constant 0 : i32
        %dma_start3A_87 = tpu.memref_slice %arg2[%dma_start3A_85, %dma_start3A_86] : memref<10000x128xf32, #tpu.memory_space<hbm>> -> memref<10000x128xf32, #tpu.memory_space<hbm>>
        tpu.enqueue_indirect_dma source(%dma_start3A_87 : memref<10000x128xf32, #tpu.memory_space<hbm>>) target(%arg9 : memref<128x128xf32, #tpu.memory_space<vmem>>) offsets(%dma_start3A_84 : memref<128xi32, #tpu.memory_space<vmem>>) semaphore(%arg12 : memref<!tpu.dma_semaphore, #tpu.memory_space<semaphore_mem>>)
      } else {
      }
      %dma_wait3A_68 = arith.constant 0 : i32
      %dma_wait3A_69 = arith.constant 0 : i32
      %dma_wait3A_70 = tpu.memref_slice %arg2[%dma_wait3A_68, %dma_wait3A_69] : memref<10000x128xf32, #tpu.memory_space<hbm>> -> memref<128x128xf32, #tpu.memory_space<hbm>>
      %dma_wait3A_71 = arith.constant 0 : i32
      %dma_wait3A_72 = arith.constant 0 : i32
      %dma_wait3A_73 = tpu.memref_slice %arg2[%dma_wait3A_71, %dma_wait3A_72] : memref<10000x128xf32, #tpu.memory_space<hbm>> -> memref<128x128xf32, #tpu.memory_space<hbm>>
      tpu.wait_dma2 semaphore(%arg13 : memref<!tpu.dma_semaphore, #tpu.memory_space<semaphore_mem>>) src(%dma_wait3A_73 : memref<128x128xf32, #tpu.memory_space<hbm>>) dst(%arg10 : memref<128x128xf32, #tpu.memory_space<vmem>>)
      %mul3A_74 = arith.constant 2 : i32
      %mul3A_75 = arith.muli %mul3A_74, %scan3A_48 : i32
      %add3A_76 = arith.constant 1 : i32
      %add3A_77 = arith.addi %mul3A_75, %add3A_76 : i32
      "tpu.region"() ({
        %run_scoped3A = tpu.sem_alloc : memref<!tpu.dma_semaphore, #tpu.memory_space<semaphore_mem>>
        %dma_start3A_78 = arith.constant 0 : i32
        %dma_start3A_79 = tpu.memref_slice %arg8[%add3A_77, %dma_start3A_78] : memref<40x128xi32, #tpu.memory_space<vmem>> -> memref<1x128xi32, #tpu.memory_space<vmem>>
        %dma_start3A_80 = tpu.memref_squeeze %dma_start3A_79 : memref<1x128xi32, #tpu.memory_space<vmem>> -> memref<128xi32, #tpu.memory_space<vmem>>
        %dma_start3A_81 = arith.constant 0 : i32
        %dma_start3A_82 = arith.constant 0 : i32
        %dma_start3A_83 = tpu.memref_slice %arg11[%dma_start3A_81, %dma_start3A_82] : memref<10240x128xf32, #tpu.memory_space<vmem_shared>> -> memref<10240x128xf32, #tpu.memory_space<vmem_shared>>
        tpu.enqueue_indirect_dma source(%arg10 : memref<128x128xf32, #tpu.memory_space<vmem>>) target(%dma_start3A_83 : memref<10240x128xf32, #tpu.memory_space<vmem_shared>>) offsets(%dma_start3A_80 : memref<128xi32, #tpu.memory_space<vmem>>) semaphore(%run_scoped3A : memref<!tpu.dma_semaphore, #tpu.memory_space<semaphore_mem>>) {add = true}
        %dma_wait3A_84 = arith.constant 0 : i32
        %dma_wait3A_85 = tpu.memref_slice %arg8[%add3A_77, %dma_wait3A_84] : memref<40x128xi32, #tpu.memory_space<vmem>> -> memref<1x128xi32, #tpu.memory_space<vmem>>
        %dma_wait3A_86 = tpu.memref_squeeze %dma_wait3A_85 : memref<1x128xi32, #tpu.memory_space<vmem>> -> memref<128xi32, #tpu.memory_space<vmem>>
        %dma_wait3A_87 = arith.constant 0 : i32
        %dma_wait3A_88 = arith.constant 0 : i32
        %dma_wait3A_89 = tpu.memref_slice %arg11[%dma_wait3A_87, %dma_wait3A_88] : memref<10240x128xf32, #tpu.memory_space<vmem_shared>> -> memref<10240x128xf32, #tpu.memory_space<vmem_shared>>
        tpu.wait_indirect_dma semaphore(%run_scoped3A : memref<!tpu.dma_semaphore, #tpu.memory_space<semaphore_mem>>) src(%arg10 : memref<128x128xf32, #tpu.memory_space<vmem>>) dst(%dma_wait3A_89 : memref<10240x128xf32, #tpu.memory_space<vmem_shared>>)
        tpu.yield
      }) : () -> ()
    }
    %scan3A_23 = arith.constant 20 : i32
    "tpu.region"() ({
      %run_scoped3A = tpu.sem_alloc : memref<!tpu.dma_semaphore, #tpu.memory_space<semaphore_mem>>
      %dma_start3A_48 = arith.constant 40 : i32
      %dma_start3A_49 = arith.constant 0 : i32
      %dma_start3A_50 = tpu.memref_slice %arg3[%add3A, %dma_start3A_48, %dma_start3A_49] : memref<32x80x128xi32, #tpu.memory_space<hbm>> -> memref<1x40x128xi32, #tpu.memory_space<hbm>>
      %dma_start3A_51 = tpu.memref_squeeze %dma_start3A_50 : memref<1x40x128xi32, #tpu.memory_space<hbm>> -> memref<40x128xi32, #tpu.memory_space<hbm>>
      %dma_start3A_52 = arith.constant 40 : i32
      %dma_start3A_53 = arith.constant 0 : i32
      %dma_start3A_54 = tpu.memref_slice %arg3[%add3A, %dma_start3A_52, %dma_start3A_53] : memref<32x80x128xi32, #tpu.memory_space<hbm>> -> memref<1x40x128xi32, #tpu.memory_space<hbm>>
      %dma_start3A_55 = tpu.memref_squeeze %dma_start3A_54 : memref<1x40x128xi32, #tpu.memory_space<hbm>> -> memref<40x128xi32, #tpu.memory_space<hbm>>
      tpu.enqueue_dma source(%dma_start3A_55 : memref<40x128xi32, #tpu.memory_space<hbm>>) target(%arg7 : memref<40x128xi32, #tpu.memory_space<vmem>>) target_semaphore(%run_scoped3A : memref<!tpu.dma_semaphore, #tpu.memory_space<semaphore_mem>>)
      %dma_wait3A = arith.constant 40 : i32
      %dma_wait3A_56 = arith.constant 0 : i32
      %dma_wait3A_57 = tpu.memref_slice %arg3[%add3A, %dma_wait3A, %dma_wait3A_56] : memref<32x80x128xi32, #tpu.memory_space<hbm>> -> memref<1x40x128xi32, #tpu.memory_space<hbm>>
      %dma_wait3A_58 = tpu.memref_squeeze %dma_wait3A_57 : memref<1x40x128xi32, #tpu.memory_space<hbm>> -> memref<40x128xi32, #tpu.memory_space<hbm>>
      %dma_wait3A_59 = arith.constant 40 : i32
      %dma_wait3A_60 = arith.constant 0 : i32
      %dma_wait3A_61 = tpu.memref_slice %arg3[%add3A, %dma_wait3A_59, %dma_wait3A_60] : memref<32x80x128xi32, #tpu.memory_space<hbm>> -> memref<1x40x128xi32, #tpu.memory_space<hbm>>
      %dma_wait3A_62 = tpu.memref_squeeze %dma_wait3A_61 : memref<1x40x128xi32, #tpu.memory_space<hbm>> -> memref<40x128xi32, #tpu.memory_space<hbm>>
      tpu.wait_dma2 semaphore(%run_scoped3A : memref<!tpu.dma_semaphore, #tpu.memory_space<semaphore_mem>>) src(%dma_wait3A_62 : memref<40x128xi32, #tpu.memory_space<hbm>>) dst(%arg7 : memref<40x128xi32, #tpu.memory_space<vmem>>)
      tpu.yield
    }) : () -> ()
    "tpu.region"() ({
      %run_scoped3A = tpu.sem_alloc : memref<!tpu.dma_semaphore, #tpu.memory_space<semaphore_mem>>
      %dma_start3A_48 = arith.constant 40 : i32
      %dma_start3A_49 = arith.constant 0 : i32
      %dma_start3A_50 = tpu.memref_slice %arg4[%add3A, %dma_start3A_48, %dma_start3A_49] : memref<32x80x128xi32, #tpu.memory_space<hbm>> -> memref<1x40x128xi32, #tpu.memory_space<hbm>>
      %dma_start3A_51 = tpu.memref_squeeze %dma_start3A_50 : memref<1x40x128xi32, #tpu.memory_space<hbm>> -> memref<40x128xi32, #tpu.memory_space<hbm>>
      %dma_start3A_52 = arith.constant 40 : i32
      %dma_start3A_53 = arith.constant 0 : i32
      %dma_start3A_54 = tpu.memref_slice %arg4[%add3A, %dma_start3A_52, %dma_start3A_53] : memref<32x80x128xi32, #tpu.memory_space<hbm>> -> memref<1x40x128xi32, #tpu.memory_space<hbm>>
      %dma_start3A_55 = tpu.memref_squeeze %dma_start3A_54 : memref<1x40x128xi32, #tpu.memory_space<hbm>> -> memref<40x128xi32, #tpu.memory_space<hbm>>
      tpu.enqueue_dma source(%dma_start3A_55 : memref<40x128xi32, #tpu.memory_space<hbm>>) target(%arg8 : memref<40x128xi32, #tpu.memory_space<vmem>>) target_semaphore(%run_scoped3A : memref<!tpu.dma_semaphore, #tpu.memory_space<semaphore_mem>>)
      %dma_wait3A = arith.constant 40 : i32
      %dma_wait3A_56 = arith.constant 0 : i32
      %dma_wait3A_57 = tpu.memref_slice %arg4[%add3A, %dma_wait3A, %dma_wait3A_56] : memref<32x80x128xi32, #tpu.memory_space<hbm>> -> memref<1x40x128xi32, #tpu.memory_space<hbm>>
      %dma_wait3A_58 = tpu.memref_squeeze %dma_wait3A_57 : memref<1x40x128xi32, #tpu.memory_space<hbm>> -> memref<40x128xi32, #tpu.memory_space<hbm>>
      %dma_wait3A_59 = arith.constant 40 : i32
      %dma_wait3A_60 = arith.constant 0 : i32
      %dma_wait3A_61 = tpu.memref_slice %arg4[%add3A, %dma_wait3A_59, %dma_wait3A_60] : memref<32x80x128xi32, #tpu.memory_space<hbm>> -> memref<1x40x128xi32, #tpu.memory_space<hbm>>
      %dma_wait3A_62 = tpu.memref_squeeze %dma_wait3A_61 : memref<1x40x128xi32, #tpu.memory_space<hbm>> -> memref<40x128xi32, #tpu.memory_space<hbm>>
      tpu.wait_dma2 semaphore(%run_scoped3A : memref<!tpu.dma_semaphore, #tpu.memory_space<semaphore_mem>>) src(%dma_wait3A_62 : memref<40x128xi32, #tpu.memory_space<hbm>>) dst(%arg8 : memref<40x128xi32, #tpu.memory_space<vmem>>)
      tpu.yield
    }) : () -> ()
    %dma_start3A_24 = arith.constant 0 : i32
    %dma_start3A_25 = arith.constant 0 : i32
    %dma_start3A_26 = tpu.memref_slice %arg7[%dma_start3A_24, %dma_start3A_25] : memref<40x128xi32, #tpu.memory_space<vmem>> -> memref<1x128xi32, #tpu.memory_space<vmem>>
    %dma_start3A_27 = tpu.memref_squeeze %dma_start3A_26 : memref<1x128xi32, #tpu.memory_space<vmem>> -> memref<128xi32, #tpu.memory_space<vmem>>
    %dma_start3A_28 = arith.constant 0 : i32
    %dma_start3A_29 = arith.constant 0 : i32
    %dma_start3A_30 = tpu.memref_slice %arg2[%dma_start3A_28, %dma_start3A_29] : memref<10000x128xf32, #tpu.memory_space<hbm>> -> memref<10000x128xf32, #tpu.memory_space<hbm>>
    tpu.enqueue_indirect_dma source(%dma_start3A_30 : memref<10000x128xf32, #tpu.memory_space<hbm>>) target(%arg9 : memref<128x128xf32, #tpu.memory_space<vmem>>) offsets(%dma_start3A_27 : memref<128xi32, #tpu.memory_space<vmem>>) semaphore(%arg12 : memref<!tpu.dma_semaphore, #tpu.memory_space<semaphore_mem>>)
    %scan3A_31 = arith.constant 0 : i32
    %scan3A_32 = arith.constant 0 : i32
    %scan3A_33 = arith.constant 20 : i32
    %scan3A_34 = arith.addi %scan3A_32, %scan3A_33 : i32
    %scan3A_35 = arith.constant 1 : i32
    scf.for %scan3A_48 = %scan3A_32 to %scan3A_34 step %scan3A_35  : i32 {
      %mul3A_49 = arith.constant 2 : i32
      %mul3A_50 = arith.muli %mul3A_49, %scan3A_48 : i32
      %add3A_51 = arith.constant 1 : i32
      %add3A_52 = arith.addi %mul3A_50, %add3A_51 : i32
      %dma_start3A_53 = arith.constant 0 : i32
      %dma_start3A_54 = tpu.memref_slice %arg7[%add3A_52, %dma_start3A_53] : memref<40x128xi32, #tpu.memory_space<vmem>> -> memref<1x128xi32, #tpu.memory_space<vmem>>
      %dma_start3A_55 = tpu.memref_squeeze %dma_start3A_54 : memref<1x128xi32, #tpu.memory_space<vmem>> -> memref<128xi32, #tpu.memory_space<vmem>>
      %dma_start3A_56 = arith.constant 0 : i32
      %dma_start3A_57 = arith.constant 0 : i32
      %dma_start3A_58 = tpu.memref_slice %arg2[%dma_start3A_56, %dma_start3A_57] : memref<10000x128xf32, #tpu.memory_space<hbm>> -> memref<10000x128xf32, #tpu.memory_space<hbm>>
      tpu.enqueue_indirect_dma source(%dma_start3A_58 : memref<10000x128xf32, #tpu.memory_space<hbm>>) target(%arg10 : memref<128x128xf32, #tpu.memory_space<vmem>>) offsets(%dma_start3A_55 : memref<128xi32, #tpu.memory_space<vmem>>) semaphore(%arg13 : memref<!tpu.dma_semaphore, #tpu.memory_space<semaphore_mem>>)
      %dma_wait3A = arith.constant 0 : i32
      %dma_wait3A_59 = arith.constant 0 : i32
      %dma_wait3A_60 = tpu.memref_slice %arg2[%dma_wait3A, %dma_wait3A_59] : memref<10000x128xf32, #tpu.memory_space<hbm>> -> memref<128x128xf32, #tpu.memory_space<hbm>>
      %dma_wait3A_61 = arith.constant 0 : i32
      %dma_wait3A_62 = arith.constant 0 : i32
      %dma_wait3A_63 = tpu.memref_slice %arg2[%dma_wait3A_61, %dma_wait3A_62] : memref<10000x128xf32, #tpu.memory_space<hbm>> -> memref<128x128xf32, #tpu.memory_space<hbm>>
      tpu.wait_dma2 semaphore(%arg12 : memref<!tpu.dma_semaphore, #tpu.memory_space<semaphore_mem>>) src(%dma_wait3A_63 : memref<128x128xf32, #tpu.memory_space<hbm>>) dst(%arg9 : memref<128x128xf32, #tpu.memory_space<vmem>>)
      %mul3A_64 = arith.constant 2 : i32
      %mul3A_65 = arith.muli %mul3A_64, %scan3A_48 : i32
      "tpu.region"() ({
        %run_scoped3A = tpu.sem_alloc : memref<!tpu.dma_semaphore, #tpu.memory_space<semaphore_mem>>
        %dma_start3A_78 = arith.constant 0 : i32
        %dma_start3A_79 = tpu.memref_slice %arg8[%mul3A_65, %dma_start3A_78] : memref<40x128xi32, #tpu.memory_space<vmem>> -> memref<1x128xi32, #tpu.memory_space<vmem>>
        %dma_start3A_80 = tpu.memref_squeeze %dma_start3A_79 : memref<1x128xi32, #tpu.memory_space<vmem>> -> memref<128xi32, #tpu.memory_space<vmem>>
        %dma_start3A_81 = arith.constant 0 : i32
        %dma_start3A_82 = arith.constant 0 : i32
        %dma_start3A_83 = tpu.memref_slice %arg11[%dma_start3A_81, %dma_start3A_82] : memref<10240x128xf32, #tpu.memory_space<vmem_shared>> -> memref<10240x128xf32, #tpu.memory_space<vmem_shared>>
        tpu.enqueue_indirect_dma source(%arg9 : memref<128x128xf32, #tpu.memory_space<vmem>>) target(%dma_start3A_83 : memref<10240x128xf32, #tpu.memory_space<vmem_shared>>) offsets(%dma_start3A_80 : memref<128xi32, #tpu.memory_space<vmem>>) semaphore(%run_scoped3A : memref<!tpu.dma_semaphore, #tpu.memory_space<semaphore_mem>>) {add = true}
        %dma_wait3A_84 = arith.constant 0 : i32
        %dma_wait3A_85 = tpu.memref_slice %arg8[%mul3A_65, %dma_wait3A_84] : memref<40x128xi32, #tpu.memory_space<vmem>> -> memref<1x128xi32, #tpu.memory_space<vmem>>
        %dma_wait3A_86 = tpu.memref_squeeze %dma_wait3A_85 : memref<1x128xi32, #tpu.memory_space<vmem>> -> memref<128xi32, #tpu.memory_space<vmem>>
        %dma_wait3A_87 = arith.constant 0 : i32
        %dma_wait3A_88 = arith.constant 0 : i32
        %dma_wait3A_89 = tpu.memref_slice %arg11[%dma_wait3A_87, %dma_wait3A_88] : memref<10240x128xf32, #tpu.memory_space<vmem_shared>> -> memref<10240x128xf32, #tpu.memory_space<vmem_shared>>
        tpu.wait_indirect_dma semaphore(%run_scoped3A : memref<!tpu.dma_semaphore, #tpu.memory_space<semaphore_mem>>) src(%arg9 : memref<128x128xf32, #tpu.memory_space<vmem>>) dst(%dma_wait3A_89 : memref<10240x128xf32, #tpu.memory_space<vmem_shared>>)
        tpu.yield
      }) : () -> ()
      %lt3A = arith.constant 19 : i32
      %lt3A_66 = arith.cmpi slt, %scan3A_48, %lt3A : i32
      %convert_element_type3A = arith.extui %lt3A_66 : i1 to i32
      %cond3A = arith.constant 0 : i32
      %cond3A_67 = arith.cmpi ne, %convert_element_type3A, %cond3A : i32
      scf.if %cond3A_67 {
        %mul3A_78 = arith.constant 2 : i32
        %mul3A_79 = arith.muli %mul3A_78, %scan3A_48 : i32
        %add3A_80 = arith.constant 2 : i32
        %add3A_81 = arith.addi %mul3A_79, %add3A_80 : i32
        %dma_start3A_82 = arith.constant 0 : i32
        %dma_start3A_83 = tpu.memref_slice %arg7[%add3A_81, %dma_start3A_82] : memref<40x128xi32, #tpu.memory_space<vmem>> -> memref<1x128xi32, #tpu.memory_space<vmem>>
        %dma_start3A_84 = tpu.memref_squeeze %dma_start3A_83 : memref<1x128xi32, #tpu.memory_space<vmem>> -> memref<128xi32, #tpu.memory_space<vmem>>
        %dma_start3A_85 = arith.constant 0 : i32
        %dma_start3A_86 = arith.constant 0 : i32
        %dma_start3A_87 = tpu.memref_slice %arg2[%dma_start3A_85, %dma_start3A_86] : memref<10000x128xf32, #tpu.memory_space<hbm>> -> memref<10000x128xf32, #tpu.memory_space<hbm>>
        tpu.enqueue_indirect_dma source(%dma_start3A_87 : memref<10000x128xf32, #tpu.memory_space<hbm>>) target(%arg9 : memref<128x128xf32, #tpu.memory_space<vmem>>) offsets(%dma_start3A_84 : memref<128xi32, #tpu.memory_space<vmem>>) semaphore(%arg12 : memref<!tpu.dma_semaphore, #tpu.memory_space<semaphore_mem>>)
      } else {
      }
      %dma_wait3A_68 = arith.constant 0 : i32
      %dma_wait3A_69 = arith.constant 0 : i32
      %dma_wait3A_70 = tpu.memref_slice %arg2[%dma_wait3A_68, %dma_wait3A_69] : memref<10000x128xf32, #tpu.memory_space<hbm>> -> memref<128x128xf32, #tpu.memory_space<hbm>>
      %dma_wait3A_71 = arith.constant 0 : i32
      %dma_wait3A_72 = arith.constant 0 : i32
      %dma_wait3A_73 = tpu.memref_slice %arg2[%dma_wait3A_71, %dma_wait3A_72] : memref<10000x128xf32, #tpu.memory_space<hbm>> -> memref<128x128xf32, #tpu.memory_space<hbm>>
      tpu.wait_dma2 semaphore(%arg13 : memref<!tpu.dma_semaphore, #tpu.memory_space<semaphore_mem>>) src(%dma_wait3A_73 : memref<128x128xf32, #tpu.memory_space<hbm>>) dst(%arg10 : memref<128x128xf32, #tpu.memory_space<vmem>>)
      %mul3A_74 = arith.constant 2 : i32
      %mul3A_75 = arith.muli %mul3A_74, %scan3A_48 : i32
      %add3A_76 = arith.constant 1 : i32
      %add3A_77 = arith.addi %mul3A_75, %add3A_76 : i32
      "tpu.region"() ({
        %run_scoped3A = tpu.sem_alloc : memref<!tpu.dma_semaphore, #tpu.memory_space<semaphore_mem>>
        %dma_start3A_78 = arith.constant 0 : i32
        %dma_start3A_79 = tpu.memref_slice %arg8[%add3A_77, %dma_start3A_78] : memref<40x128xi32, #tpu.memory_space<vmem>> -> memref<1x128xi32, #tpu.memory_space<vmem>>
        %dma_start3A_80 = tpu.memref_squeeze %dma_start3A_79 : memref<1x128xi32, #tpu.memory_space<vmem>> -> memref<128xi32, #tpu.memory_space<vmem>>
        %dma_start3A_81 = arith.constant 0 : i32
        %dma_start3A_82 = arith.constant 0 : i32
        %dma_start3A_83 = tpu.memref_slice %arg11[%dma_start3A_81, %dma_start3A_82] : memref<10240x128xf32, #tpu.memory_space<vmem_shared>> -> memref<10240x128xf32, #tpu.memory_space<vmem_shared>>
        tpu.enqueue_indirect_dma source(%arg10 : memref<128x128xf32, #tpu.memory_space<vmem>>) target(%dma_start3A_83 : memref<10240x128xf32, #tpu.memory_space<vmem_shared>>) offsets(%dma_start3A_80 : memref<128xi32, #tpu.memory_space<vmem>>) semaphore(%run_scoped3A : memref<!tpu.dma_semaphore, #tpu.memory_space<semaphore_mem>>) {add = true}
        %dma_wait3A_84 = arith.constant 0 : i32
        %dma_wait3A_85 = tpu.memref_slice %arg8[%add3A_77, %dma_wait3A_84] : memref<40x128xi32, #tpu.memory_space<vmem>> -> memref<1x128xi32, #tpu.memory_space<vmem>>
        %dma_wait3A_86 = tpu.memref_squeeze %dma_wait3A_85 : memref<1x128xi32, #tpu.memory_space<vmem>> -> memref<128xi32, #tpu.memory_space<vmem>>
        %dma_wait3A_87 = arith.constant 0 : i32
        %dma_wait3A_88 = arith.constant 0 : i32
        %dma_wait3A_89 = tpu.memref_slice %arg11[%dma_wait3A_87, %dma_wait3A_88] : memref<10240x128xf32, #tpu.memory_space<vmem_shared>> -> memref<10240x128xf32, #tpu.memory_space<vmem_shared>>
        tpu.wait_indirect_dma semaphore(%run_scoped3A : memref<!tpu.dma_semaphore, #tpu.memory_space<semaphore_mem>>) src(%arg10 : memref<128x128xf32, #tpu.memory_space<vmem>>) dst(%dma_wait3A_89 : memref<10240x128xf32, #tpu.memory_space<vmem_shared>>)
        tpu.yield
      }) : () -> ()
    }
    %scan3A_36 = arith.constant 20 : i32
    %barrier3A_37 = arith.constant 0 : index
    tpu.barrier barrier_id(%barrier3A_37)
    %add3A_38 = arith.constant 0 : i32
    %add3A_39 = arith.addi %mul3A_2, %add3A_38 : i32
    "tpu.region"() ({
      %run_scoped3A = tpu.sem_alloc : memref<!tpu.dma_semaphore, #tpu.memory_space<semaphore_mem>>
      %dma_start3A_48 = arith.constant 0 : i32
      %dma_start3A_49 = tpu.memref_slice %arg11[%add3A_39, %dma_start3A_48] : memref<10240x128xf32, #tpu.memory_space<vmem_shared>> -> memref<128x128xf32, #tpu.memory_space<vmem_shared>>
      %dma_start3A_50 = arith.constant 0 : i32
      %dma_start3A_51 = tpu.memref_slice %arg11[%add3A_39, %dma_start3A_50] : memref<10240x128xf32, #tpu.memory_space<vmem_shared>> -> memref<128x128xf32, #tpu.memory_space<vmem_shared>>
      tpu.enqueue_dma source(%dma_start3A_51 : memref<128x128xf32, #tpu.memory_space<vmem_shared>>) target(%arg9 : memref<128x128xf32, #tpu.memory_space<vmem>>) target_semaphore(%run_scoped3A : memref<!tpu.dma_semaphore, #tpu.memory_space<semaphore_mem>>)
      %dma_wait3A = arith.constant 0 : i32
      %dma_wait3A_52 = tpu.memref_slice %arg11[%add3A_39, %dma_wait3A] : memref<10240x128xf32, #tpu.memory_space<vmem_shared>> -> memref<128x128xf32, #tpu.memory_space<vmem_shared>>
      %dma_wait3A_53 = arith.constant 0 : i32
      %dma_wait3A_54 = tpu.memref_slice %arg11[%add3A_39, %dma_wait3A_53] : memref<10240x128xf32, #tpu.memory_space<vmem_shared>> -> memref<128x128xf32, #tpu.memory_space<vmem_shared>>
      tpu.wait_dma2 semaphore(%run_scoped3A : memref<!tpu.dma_semaphore, #tpu.memory_space<semaphore_mem>>) src(%dma_wait3A_54 : memref<128x128xf32, #tpu.memory_space<vmem_shared>>) dst(%arg9 : memref<128x128xf32, #tpu.memory_space<vmem>>)
      tpu.yield
    }) : () -> ()
    "tpu.region"() ({
      %run_scoped3A = tpu.sem_alloc : memref<!tpu.dma_semaphore, #tpu.memory_space<semaphore_mem>>
      %dma_start3A_48 = arith.constant 0 : i32
      %dma_start3A_49 = tpu.memref_slice %arg6[%arg0, %add3A_39, %dma_start3A_48] : memref<2x10240x128xf32, #tpu.memory_space<hbm>> -> memref<1x128x128xf32, #tpu.memory_space<hbm>>
      %dma_start3A_50 = tpu.memref_squeeze %dma_start3A_49 : memref<1x128x128xf32, #tpu.memory_space<hbm>> -> memref<128x128xf32, #tpu.memory_space<hbm>>
      %dma_start3A_51 = arith.constant 0 : i32
      %dma_start3A_52 = tpu.memref_slice %arg6[%arg0, %add3A_39, %dma_start3A_51] : memref<2x10240x128xf32, #tpu.memory_space<hbm>> -> memref<1x128x128xf32, #tpu.memory_space<hbm>>
      %dma_start3A_53 = tpu.memref_squeeze %dma_start3A_52 : memref<1x128x128xf32, #tpu.memory_space<hbm>> -> memref<128x128xf32, #tpu.memory_space<hbm>>
      tpu.enqueue_dma source(%arg9 : memref<128x128xf32, #tpu.memory_space<vmem>>) target(%dma_start3A_53 : memref<128x128xf32, #tpu.memory_space<hbm>>) target_semaphore(%run_scoped3A : memref<!tpu.dma_semaphore, #tpu.memory_space<semaphore_mem>>)
      %dma_wait3A = arith.constant 0 : i32
      %dma_wait3A_54 = tpu.memref_slice %arg6[%arg0, %add3A_39, %dma_wait3A] : memref<2x10240x128xf32, #tpu.memory_space<hbm>> -> memref<1x128x128xf32, #tpu.memory_space<hbm>>
      %dma_wait3A_55 = tpu.memref_squeeze %dma_wait3A_54 : memref<1x128x128xf32, #tpu.memory_space<hbm>> -> memref<128x128xf32, #tpu.memory_space<hbm>>
      %dma_wait3A_56 = arith.constant 0 : i32
      %dma_wait3A_57 = tpu.memref_slice %arg6[%arg0, %add3A_39, %dma_wait3A_56] : memref<2x10240x128xf32, #tpu.memory_space<hbm>> -> memref<1x128x128xf32, #tpu.memory_space<hbm>>
      %dma_wait3A_58 = tpu.memref_squeeze %dma_wait3A_57 : memref<1x128x128xf32, #tpu.memory_space<hbm>> -> memref<128x128xf32, #tpu.memory_space<hbm>>
      tpu.wait_dma2 semaphore(%run_scoped3A : memref<!tpu.dma_semaphore, #tpu.memory_space<semaphore_mem>>) src(%arg9 : memref<128x128xf32, #tpu.memory_space<vmem>>) dst(%dma_wait3A_58 : memref<128x128xf32, #tpu.memory_space<hbm>>)
      tpu.yield
    }) : () -> ()
    %add3A_40 = arith.constant 128 : i32
    %add3A_41 = arith.addi %mul3A_2, %add3A_40 : i32
    "tpu.region"() ({
      %run_scoped3A = tpu.sem_alloc : memref<!tpu.dma_semaphore, #tpu.memory_space<semaphore_mem>>
      %dma_start3A_48 = arith.constant 0 : i32
      %dma_start3A_49 = tpu.memref_slice %arg11[%add3A_41, %dma_start3A_48] : memref<10240x128xf32, #tpu.memory_space<vmem_shared>> -> memref<128x128xf32, #tpu.memory_space<vmem_shared>>
      %dma_start3A_50 = arith.constant 0 : i32
      %dma_start3A_51 = tpu.memref_slice %arg11[%add3A_41, %dma_start3A_50] : memref<10240x128xf32, #tpu.memory_space<vmem_shared>> -> memref<128x128xf32, #tpu.memory_space<vmem_shared>>
      tpu.enqueue_dma source(%dma_start3A_51 : memref<128x128xf32, #tpu.memory_space<vmem_shared>>) target(%arg9 : memref<128x128xf32, #tpu.memory_space<vmem>>) target_semaphore(%run_scoped3A : memref<!tpu.dma_semaphore, #tpu.memory_space<semaphore_mem>>)
      %dma_wait3A = arith.constant 0 : i32
      %dma_wait3A_52 = tpu.memref_slice %arg11[%add3A_41, %dma_wait3A] : memref<10240x128xf32, #tpu.memory_space<vmem_shared>> -> memref<128x128xf32, #tpu.memory_space<vmem_shared>>
      %dma_wait3A_53 = arith.constant 0 : i32
      %dma_wait3A_54 = tpu.memref_slice %arg11[%add3A_41, %dma_wait3A_53] : memref<10240x128xf32, #tpu.memory_space<vmem_shared>> -> memref<128x128xf32, #tpu.memory_space<vmem_shared>>
      tpu.wait_dma2 semaphore(%run_scoped3A : memref<!tpu.dma_semaphore, #tpu.memory_space<semaphore_mem>>) src(%dma_wait3A_54 : memref<128x128xf32, #tpu.memory_space<vmem_shared>>) dst(%arg9 : memref<128x128xf32, #tpu.memory_space<vmem>>)
      tpu.yield
    }) : () -> ()
    "tpu.region"() ({
      %run_scoped3A = tpu.sem_alloc : memref<!tpu.dma_semaphore, #tpu.memory_space<semaphore_mem>>
      %dma_start3A_48 = arith.constant 0 : i32
      %dma_start3A_49 = tpu.memref_slice %arg6[%arg0, %add3A_41, %dma_start3A_48] : memref<2x10240x128xf32, #tpu.memory_space<hbm>> -> memref<1x128x128xf32, #tpu.memory_space<hbm>>
      %dma_start3A_50 = tpu.memref_squeeze %dma_start3A_49 : memref<1x128x128xf32, #tpu.memory_space<hbm>> -> memref<128x128xf32, #tpu.memory_space<hbm>>
      %dma_start3A_51 = arith.constant 0 : i32
      %dma_start3A_52 = tpu.memref_slice %arg6[%arg0, %add3A_41, %dma_start3A_51] : memref<2x10240x128xf32, #tpu.memory_space<hbm>> -> memref<1x128x128xf32, #tpu.memory_space<hbm>>
      %dma_start3A_53 = tpu.memref_squeeze %dma_start3A_52 : memref<1x128x128xf32, #tpu.memory_space<hbm>> -> memref<128x128xf32, #tpu.memory_space<hbm>>
      tpu.enqueue_dma source(%arg9 : memref<128x128xf32, #tpu.memory_space<vmem>>) target(%dma_start3A_53 : memref<128x128xf32, #tpu.memory_space<hbm>>) target_semaphore(%run_scoped3A : memref<!tpu.dma_semaphore, #tpu.memory_space<semaphore_mem>>)
      %dma_wait3A = arith.constant 0 : i32
      %dma_wait3A_54 = tpu.memref_slice %arg6[%arg0, %add3A_41, %dma_wait3A] : memref<2x10240x128xf32, #tpu.memory_space<hbm>> -> memref<1x128x128xf32, #tpu.memory_space<hbm>>
      %dma_wait3A_55 = tpu.memref_squeeze %dma_wait3A_54 : memref<1x128x128xf32, #tpu.memory_space<hbm>> -> memref<128x128xf32, #tpu.memory_space<hbm>>
      %dma_wait3A_56 = arith.constant 0 : i32
      %dma_wait3A_57 = tpu.memref_slice %arg6[%arg0, %add3A_41, %dma_wait3A_56] : memref<2x10240x128xf32, #tpu.memory_space<hbm>> -> memref<1x128x128xf32, #tpu.memory_space<hbm>>
      %dma_wait3A_58 = tpu.memref_squeeze %dma_wait3A_57 : memref<1x128x128xf32, #tpu.memory_space<hbm>> -> memref<128x128xf32, #tpu.memory_space<hbm>>
      tpu.wait_dma2 semaphore(%run_scoped3A : memref<!tpu.dma_semaphore, #tpu.memory_space<semaphore_mem>>) src(%arg9 : memref<128x128xf32, #tpu.memory_space<vmem>>) dst(%dma_wait3A_58 : memref<128x128xf32, #tpu.memory_space<hbm>>)
      tpu.yield
    }) : () -> ()
    %add3A_42 = arith.constant 256 : i32
    %add3A_43 = arith.addi %mul3A_2, %add3A_42 : i32
    "tpu.region"() ({
      %run_scoped3A = tpu.sem_alloc : memref<!tpu.dma_semaphore, #tpu.memory_space<semaphore_mem>>
      %dma_start3A_48 = arith.constant 0 : i32
      %dma_start3A_49 = tpu.memref_slice %arg11[%add3A_43, %dma_start3A_48] : memref<10240x128xf32, #tpu.memory_space<vmem_shared>> -> memref<128x128xf32, #tpu.memory_space<vmem_shared>>
      %dma_start3A_50 = arith.constant 0 : i32
      %dma_start3A_51 = tpu.memref_slice %arg11[%add3A_43, %dma_start3A_50] : memref<10240x128xf32, #tpu.memory_space<vmem_shared>> -> memref<128x128xf32, #tpu.memory_space<vmem_shared>>
      tpu.enqueue_dma source(%dma_start3A_51 : memref<128x128xf32, #tpu.memory_space<vmem_shared>>) target(%arg9 : memref<128x128xf32, #tpu.memory_space<vmem>>) target_semaphore(%run_scoped3A : memref<!tpu.dma_semaphore, #tpu.memory_space<semaphore_mem>>)
      %dma_wait3A = arith.constant 0 : i32
      %dma_wait3A_52 = tpu.memref_slice %arg11[%add3A_43, %dma_wait3A] : memref<10240x128xf32, #tpu.memory_space<vmem_shared>> -> memref<128x128xf32, #tpu.memory_space<vmem_shared>>
      %dma_wait3A_53 = arith.constant 0 : i32
      %dma_wait3A_54 = tpu.memref_slice %arg11[%add3A_43, %dma_wait3A_53] : memref<10240x128xf32, #tpu.memory_space<vmem_shared>> -> memref<128x128xf32, #tpu.memory_space<vmem_shared>>
      tpu.wait_dma2 semaphore(%run_scoped3A : memref<!tpu.dma_semaphore, #tpu.memory_space<semaphore_mem>>) src(%dma_wait3A_54 : memref<128x128xf32, #tpu.memory_space<vmem_shared>>) dst(%arg9 : memref<128x128xf32, #tpu.memory_space<vmem>>)
      tpu.yield
    }) : () -> ()
    "tpu.region"() ({
      %run_scoped3A = tpu.sem_alloc : memref<!tpu.dma_semaphore, #tpu.memory_space<semaphore_mem>>
      %dma_start3A_48 = arith.constant 0 : i32
      %dma_start3A_49 = tpu.memref_slice %arg6[%arg0, %add3A_43, %dma_start3A_48] : memref<2x10240x128xf32, #tpu.memory_space<hbm>> -> memref<1x128x128xf32, #tpu.memory_space<hbm>>
      %dma_start3A_50 = tpu.memref_squeeze %dma_start3A_49 : memref<1x128x128xf32, #tpu.memory_space<hbm>> -> memref<128x128xf32, #tpu.memory_space<hbm>>
      %dma_start3A_51 = arith.constant 0 : i32
      %dma_start3A_52 = tpu.memref_slice %arg6[%arg0, %add3A_43, %dma_start3A_51] : memref<2x10240x128xf32, #tpu.memory_space<hbm>> -> memref<1x128x128xf32, #tpu.memory_space<hbm>>
      %dma_start3A_53 = tpu.memref_squeeze %dma_start3A_52 : memref<1x128x128xf32, #tpu.memory_space<hbm>> -> memref<128x128xf32, #tpu.memory_space<hbm>>
      tpu.enqueue_dma source(%arg9 : memref<128x128xf32, #tpu.memory_space<vmem>>) target(%dma_start3A_53 : memref<128x128xf32, #tpu.memory_space<hbm>>) target_semaphore(%run_scoped3A : memref<!tpu.dma_semaphore, #tpu.memory_space<semaphore_mem>>)
      %dma_wait3A = arith.constant 0 : i32
      %dma_wait3A_54 = tpu.memref_slice %arg6[%arg0, %add3A_43, %dma_wait3A] : memref<2x10240x128xf32, #tpu.memory_space<hbm>> -> memref<1x128x128xf32, #tpu.memory_space<hbm>>
      %dma_wait3A_55 = tpu.memref_squeeze %dma_wait3A_54 : memref<1x128x128xf32, #tpu.memory_space<hbm>> -> memref<128x128xf32, #tpu.memory_space<hbm>>
      %dma_wait3A_56 = arith.constant 0 : i32
      %dma_wait3A_57 = tpu.memref_slice %arg6[%arg0, %add3A_43, %dma_wait3A_56] : memref<2x10240x128xf32, #tpu.memory_space<hbm>> -> memref<1x128x128xf32, #tpu.memory_space<hbm>>
      %dma_wait3A_58 = tpu.memref_squeeze %dma_wait3A_57 : memref<1x128x128xf32, #tpu.memory_space<hbm>> -> memref<128x128xf32, #tpu.memory_space<hbm>>
      tpu.wait_dma2 semaphore(%run_scoped3A : memref<!tpu.dma_semaphore, #tpu.memory_space<semaphore_mem>>) src(%arg9 : memref<128x128xf32, #tpu.memory_space<vmem>>) dst(%dma_wait3A_58 : memref<128x128xf32, #tpu.memory_space<hbm>>)
      tpu.yield
    }) : () -> ()
    %add3A_44 = arith.constant 384 : i32
    %add3A_45 = arith.addi %mul3A_2, %add3A_44 : i32
    "tpu.region"() ({
      %run_scoped3A = tpu.sem_alloc : memref<!tpu.dma_semaphore, #tpu.memory_space<semaphore_mem>>
      %dma_start3A_48 = arith.constant 0 : i32
      %dma_start3A_49 = tpu.memref_slice %arg11[%add3A_45, %dma_start3A_48] : memref<10240x128xf32, #tpu.memory_space<vmem_shared>> -> memref<128x128xf32, #tpu.memory_space<vmem_shared>>
      %dma_start3A_50 = arith.constant 0 : i32
      %dma_start3A_51 = tpu.memref_slice %arg11[%add3A_45, %dma_start3A_50] : memref<10240x128xf32, #tpu.memory_space<vmem_shared>> -> memref<128x128xf32, #tpu.memory_space<vmem_shared>>
      tpu.enqueue_dma source(%dma_start3A_51 : memref<128x128xf32, #tpu.memory_space<vmem_shared>>) target(%arg9 : memref<128x128xf32, #tpu.memory_space<vmem>>) target_semaphore(%run_scoped3A : memref<!tpu.dma_semaphore, #tpu.memory_space<semaphore_mem>>)
      %dma_wait3A = arith.constant 0 : i32
      %dma_wait3A_52 = tpu.memref_slice %arg11[%add3A_45, %dma_wait3A] : memref<10240x128xf32, #tpu.memory_space<vmem_shared>> -> memref<128x128xf32, #tpu.memory_space<vmem_shared>>
      %dma_wait3A_53 = arith.constant 0 : i32
      %dma_wait3A_54 = tpu.memref_slice %arg11[%add3A_45, %dma_wait3A_53] : memref<10240x128xf32, #tpu.memory_space<vmem_shared>> -> memref<128x128xf32, #tpu.memory_space<vmem_shared>>
      tpu.wait_dma2 semaphore(%run_scoped3A : memref<!tpu.dma_semaphore, #tpu.memory_space<semaphore_mem>>) src(%dma_wait3A_54 : memref<128x128xf32, #tpu.memory_space<vmem_shared>>) dst(%arg9 : memref<128x128xf32, #tpu.memory_space<vmem>>)
      tpu.yield
    }) : () -> ()
    "tpu.region"() ({
      %run_scoped3A = tpu.sem_alloc : memref<!tpu.dma_semaphore, #tpu.memory_space<semaphore_mem>>
      %dma_start3A_48 = arith.constant 0 : i32
      %dma_start3A_49 = tpu.memref_slice %arg6[%arg0, %add3A_45, %dma_start3A_48] : memref<2x10240x128xf32, #tpu.memory_space<hbm>> -> memref<1x128x128xf32, #tpu.memory_space<hbm>>
      %dma_start3A_50 = tpu.memref_squeeze %dma_start3A_49 : memref<1x128x128xf32, #tpu.memory_space<hbm>> -> memref<128x128xf32, #tpu.memory_space<hbm>>
      %dma_start3A_51 = arith.constant 0 : i32
      %dma_start3A_52 = tpu.memref_slice %arg6[%arg0, %add3A_45, %dma_start3A_51] : memref<2x10240x128xf32, #tpu.memory_space<hbm>> -> memref<1x128x128xf32, #tpu.memory_space<hbm>>
      %dma_start3A_53 = tpu.memref_squeeze %dma_start3A_52 : memref<1x128x128xf32, #tpu.memory_space<hbm>> -> memref<128x128xf32, #tpu.memory_space<hbm>>
      tpu.enqueue_dma source(%arg9 : memref<128x128xf32, #tpu.memory_space<vmem>>) target(%dma_start3A_53 : memref<128x128xf32, #tpu.memory_space<hbm>>) target_semaphore(%run_scoped3A : memref<!tpu.dma_semaphore, #tpu.memory_space<semaphore_mem>>)
      %dma_wait3A = arith.constant 0 : i32
      %dma_wait3A_54 = tpu.memref_slice %arg6[%arg0, %add3A_45, %dma_wait3A] : memref<2x10240x128xf32, #tpu.memory_space<hbm>> -> memref<1x128x128xf32, #tpu.memory_space<hbm>>
      %dma_wait3A_55 = tpu.memref_squeeze %dma_wait3A_54 : memref<1x128x128xf32, #tpu.memory_space<hbm>> -> memref<128x128xf32, #tpu.memory_space<hbm>>
      %dma_wait3A_56 = arith.constant 0 : i32
      %dma_wait3A_57 = tpu.memref_slice %arg6[%arg0, %add3A_45, %dma_wait3A_56] : memref<2x10240x128xf32, #tpu.memory_space<hbm>> -> memref<1x128x128xf32, #tpu.memory_space<hbm>>
      %dma_wait3A_58 = tpu.memref_squeeze %dma_wait3A_57 : memref<1x128x128xf32, #tpu.memory_space<hbm>> -> memref<128x128xf32, #tpu.memory_space<hbm>>
      tpu.wait_dma2 semaphore(%run_scoped3A : memref<!tpu.dma_semaphore, #tpu.memory_space<semaphore_mem>>) src(%arg9 : memref<128x128xf32, #tpu.memory_space<vmem>>) dst(%dma_wait3A_58 : memref<128x128xf32, #tpu.memory_space<hbm>>)
      tpu.yield
    }) : () -> ()
    %add3A_46 = arith.constant 512 : i32
    %add3A_47 = arith.addi %mul3A_2, %add3A_46 : i32
    "tpu.region"() ({
      %run_scoped3A = tpu.sem_alloc : memref<!tpu.dma_semaphore, #tpu.memory_space<semaphore_mem>>
      %dma_start3A_48 = arith.constant 0 : i32
      %dma_start3A_49 = tpu.memref_slice %arg11[%add3A_47, %dma_start3A_48] : memref<10240x128xf32, #tpu.memory_space<vmem_shared>> -> memref<128x128xf32, #tpu.memory_space<vmem_shared>>
      %dma_start3A_50 = arith.constant 0 : i32
      %dma_start3A_51 = tpu.memref_slice %arg11[%add3A_47, %dma_start3A_50] : memref<10240x128xf32, #tpu.memory_space<vmem_shared>> -> memref<128x128xf32, #tpu.memory_space<vmem_shared>>
      tpu.enqueue_dma source(%dma_start3A_51 : memref<128x128xf32, #tpu.memory_space<vmem_shared>>) target(%arg9 : memref<128x128xf32, #tpu.memory_space<vmem>>) target_semaphore(%run_scoped3A : memref<!tpu.dma_semaphore, #tpu.memory_space<semaphore_mem>>)
      %dma_wait3A = arith.constant 0 : i32
      %dma_wait3A_52 = tpu.memref_slice %arg11[%add3A_47, %dma_wait3A] : memref<10240x128xf32, #tpu.memory_space<vmem_shared>> -> memref<128x128xf32, #tpu.memory_space<vmem_shared>>
      %dma_wait3A_53 = arith.constant 0 : i32
      %dma_wait3A_54 = tpu.memref_slice %arg11[%add3A_47, %dma_wait3A_53] : memref<10240x128xf32, #tpu.memory_space<vmem_shared>> -> memref<128x128xf32, #tpu.memory_space<vmem_shared>>
      tpu.wait_dma2 semaphore(%run_scoped3A : memref<!tpu.dma_semaphore, #tpu.memory_space<semaphore_mem>>) src(%dma_wait3A_54 : memref<128x128xf32, #tpu.memory_space<vmem_shared>>) dst(%arg9 : memref<128x128xf32, #tpu.memory_space<vmem>>)
      tpu.yield
    }) : () -> ()
    "tpu.region"() ({
      %run_scoped3A = tpu.sem_alloc : memref<!tpu.dma_semaphore, #tpu.memory_space<semaphore_mem>>
      %dma_start3A_48 = arith.constant 0 : i32
      %dma_start3A_49 = tpu.memref_slice %arg6[%arg0, %add3A_47, %dma_start3A_48] : memref<2x10240x128xf32, #tpu.memory_space<hbm>> -> memref<1x128x128xf32, #tpu.memory_space<hbm>>
      %dma_start3A_50 = tpu.memref_squeeze %dma_start3A_49 : memref<1x128x128xf32, #tpu.memory_space<hbm>> -> memref<128x128xf32, #tpu.memory_space<hbm>>
      %dma_start3A_51 = arith.constant 0 : i32
      %dma_start3A_52 = tpu.memref_slice %arg6[%arg0, %add3A_47, %dma_start3A_51] : memref<2x10240x128xf32, #tpu.memory_space<hbm>> -> memref<1x128x128xf32, #tpu.memory_space<hbm>>
      %dma_start3A_53 = tpu.memref_squeeze %dma_start3A_52 : memref<1x128x128xf32, #tpu.memory_space<hbm>> -> memref<128x128xf32, #tpu.memory_space<hbm>>
      tpu.enqueue_dma source(%arg9 : memref<128x128xf32, #tpu.memory_space<vmem>>) target(%dma_start3A_53 : memref<128x128xf32, #tpu.memory_space<hbm>>) target_semaphore(%run_scoped3A : memref<!tpu.dma_semaphore, #tpu.memory_space<semaphore_mem>>)
      %dma_wait3A = arith.constant 0 : i32
      %dma_wait3A_54 = tpu.memref_slice %arg6[%arg0, %add3A_47, %dma_wait3A] : memref<2x10240x128xf32, #tpu.memory_space<hbm>> -> memref<1x128x128xf32, #tpu.memory_space<hbm>>
      %dma_wait3A_55 = tpu.memref_squeeze %dma_wait3A_54 : memref<1x128x128xf32, #tpu.memory_space<hbm>> -> memref<128x128xf32, #tpu.memory_space<hbm>>
      %dma_wait3A_56 = arith.constant 0 : i32
      %dma_wait3A_57 = tpu.memref_slice %arg6[%arg0, %add3A_47, %dma_wait3A_56] : memref<2x10240x128xf32, #tpu.memory_space<hbm>> -> memref<1x128x128xf32, #tpu.memory_space<hbm>>
      %dma_wait3A_58 = tpu.memref_squeeze %dma_wait3A_57 : memref<1x128x128xf32, #tpu.memory_space<hbm>> -> memref<128x128xf32, #tpu.memory_space<hbm>>
      tpu.wait_dma2 semaphore(%run_scoped3A : memref<!tpu.dma_semaphore, #tpu.memory_space<semaphore_mem>>) src(%arg9 : memref<128x128xf32, #tpu.memory_space<vmem>>) dst(%dma_wait3A_58 : memref<128x128xf32, #tpu.memory_space<hbm>>)
      tpu.yield
    }) : () -> ()
    return
  }
}

#map = affine_map<(d0, d1) -> (0, 0)>
#map1 = affine_map<(d0, d1) -> (0, 0, 0)>
module attributes {stable_mosaic.version = 14 : i64} {
  func.func @_spmm_body(%arg0: i32, %arg1: i32, %arg2: memref<10000x128xf32, #tpu.memory_space<hbm>>, %arg3: memref<32x80x128xi32, #tpu.memory_space<hbm>>, %arg4: memref<32x80x128xi32, #tpu.memory_space<hbm>>, %arg5: memref<128x128xf32, #tpu.memory_space<hbm>>, %arg6: memref<2x10240x128xf32, #tpu.memory_space<hbm>>, %arg7: memref<40x128xi32, #tpu.memory_space<vmem>>, %arg8: memref<40x128xi32, #tpu.memory_space<vmem>>, %arg9: memref<128x128xf32, #tpu.memory_space<vmem>>, %arg10: memref<128x128xf32, #tpu.memory_space<vmem>>, %arg11: memref<10240x128xf32, #tpu.memory_space<vmem_shared>>, %arg12: memref<!tpu.dma_semaphore, #tpu.memory_space<semaphore_mem>>, %arg13: memref<!tpu.dma_semaphore, #tpu.memory_space<semaphore_mem>>) attributes {dimension_semantics = [#tpu.dimension_semantics<core_parallel>, #tpu.dimension_semantics<subcore_parallel>], iteration_bounds = array<i64: 2, 16>, scalar_prefetch = 0 : i64, scratch_operands = 7 : i64, tpu.core_type = #tpu.core_type<sc_vector_subcore>, window_params = [{transform_indices = #map}, {transform_indices = #map1}, {transform_indices = #map1}, {transform_indices = #map}, {transform_indices = #map1}]} {
    %mul3A = arith.constant 2 : i32
    %mul3A_0 = arith.muli %arg1, %mul3A : i32
    %add3A = arith.addi %mul3A_0, %arg0 : i32
    %mul3A_1 = arith.constant 640 : i32
    %mul3A_2 = arith.muli %arg1, %mul3A_1 : i32
    "tpu.region"() ({
      %run_scoped3A = tpu.sem_alloc : memref<!tpu.dma_semaphore, #tpu.memory_space<semaphore_mem>>
      tpu.enqueue_dma source(%arg5 : memref<128x128xf32, #tpu.memory_space<hbm>>) target(%arg9 : memref<128x128xf32, #tpu.memory_space<vmem>>) target_semaphore(%run_scoped3A : memref<!tpu.dma_semaphore, #tpu.memory_space<semaphore_mem>>)
      tpu.wait_dma2 semaphore(%run_scoped3A : memref<!tpu.dma_semaphore, #tpu.memory_space<semaphore_mem>>) src(%arg5 : memref<128x128xf32, #tpu.memory_space<hbm>>) dst(%arg9 : memref<128x128xf32, #tpu.memory_space<vmem>>)
      tpu.yield
    }) : () -> ()
    %add3A_3 = arith.constant 0 : i32
    %add3A_4 = arith.addi %mul3A_2, %add3A_3 : i32
    "tpu.region"() ({
      %run_scoped3A = tpu.sem_alloc : memref<!tpu.dma_semaphore, #tpu.memory_space<semaphore_mem>>
      %dma_start3A_48 = arith.constant 0 : i32
      %dma_start3A_49 = tpu.memref_slice %arg11[%add3A_4, %dma_start3A_48] : memref<10240x128xf32, #tpu.memory_space<vmem_shared>> -> memref<128x128xf32, #tpu.memory_space<vmem_shared>>
      %dma_start3A_50 = arith.constant 0 : i32
      %dma_start3A_51 = tpu.memref_slice %arg11[%add3A_4, %dma_start3A_50] : memref<10240x128xf32, #tpu.memory_space<vmem_shared>> -> memref<128x128xf32, #tpu.memory_space<vmem_shared>>
      tpu.enqueue_dma source(%arg9 : memref<128x128xf32, #tpu.memory_space<vmem>>) target(%dma_start3A_51 : memref<128x128xf32, #tpu.memory_space<vmem_shared>>) target_semaphore(%run_scoped3A : memref<!tpu.dma_semaphore, #tpu.memory_space<semaphore_mem>>)
      %dma_wait3A = arith.constant 0 : i32
      %dma_wait3A_52 = tpu.memref_slice %arg11[%add3A_4, %dma_wait3A] : memref<10240x128xf32, #tpu.memory_space<vmem_shared>> -> memref<128x128xf32, #tpu.memory_space<vmem_shared>>
      %dma_wait3A_53 = arith.constant 0 : i32
      %dma_wait3A_54 = tpu.memref_slice %arg11[%add3A_4, %dma_wait3A_53] : memref<10240x128xf32, #tpu.memory_space<vmem_shared>> -> memref<128x128xf32, #tpu.memory_space<vmem_shared>>
      tpu.wait_dma2 semaphore(%run_scoped3A : memref<!tpu.dma_semaphore, #tpu.memory_space<semaphore_mem>>) src(%arg9 : memref<128x128xf32, #tpu.memory_space<vmem>>) dst(%dma_wait3A_54 : memref<128x128xf32, #tpu.memory_space<vmem_shared>>)
      tpu.yield
    }) : () -> ()
    %add3A_5 = arith.constant 128 : i32
    %add3A_6 = arith.addi %mul3A_2, %add3A_5 : i32
    "tpu.region"() ({
      %run_scoped3A = tpu.sem_alloc : memref<!tpu.dma_semaphore, #tpu.memory_space<semaphore_mem>>
      %dma_start3A_48 = arith.constant 0 : i32
      %dma_start3A_49 = tpu.memref_slice %arg11[%add3A_6, %dma_start3A_48] : memref<10240x128xf32, #tpu.memory_space<vmem_shared>> -> memref<128x128xf32, #tpu.memory_space<vmem_shared>>
      %dma_start3A_50 = arith.constant 0 : i32
      %dma_start3A_51 = tpu.memref_slice %arg11[%add3A_6, %dma_start3A_50] : memref<10240x128xf32, #tpu.memory_space<vmem_shared>> -> memref<128x128xf32, #tpu.memory_space<vmem_shared>>
      tpu.enqueue_dma source(%arg9 : memref<128x128xf32, #tpu.memory_space<vmem>>) target(%dma_start3A_51 : memref<128x128xf32, #tpu.memory_space<vmem_shared>>) target_semaphore(%run_scoped3A : memref<!tpu.dma_semaphore, #tpu.memory_space<semaphore_mem>>)
      %dma_wait3A = arith.constant 0 : i32
      %dma_wait3A_52 = tpu.memref_slice %arg11[%add3A_6, %dma_wait3A] : memref<10240x128xf32, #tpu.memory_space<vmem_shared>> -> memref<128x128xf32, #tpu.memory_space<vmem_shared>>
      %dma_wait3A_53 = arith.constant 0 : i32
      %dma_wait3A_54 = tpu.memref_slice %arg11[%add3A_6, %dma_wait3A_53] : memref<10240x128xf32, #tpu.memory_space<vmem_shared>> -> memref<128x128xf32, #tpu.memory_space<vmem_shared>>
      tpu.wait_dma2 semaphore(%run_scoped3A : memref<!tpu.dma_semaphore, #tpu.memory_space<semaphore_mem>>) src(%arg9 : memref<128x128xf32, #tpu.memory_space<vmem>>) dst(%dma_wait3A_54 : memref<128x128xf32, #tpu.memory_space<vmem_shared>>)
      tpu.yield
    }) : () -> ()
    %add3A_7 = arith.constant 256 : i32
    %add3A_8 = arith.addi %mul3A_2, %add3A_7 : i32
    "tpu.region"() ({
      %run_scoped3A = tpu.sem_alloc : memref<!tpu.dma_semaphore, #tpu.memory_space<semaphore_mem>>
      %dma_start3A_48 = arith.constant 0 : i32
      %dma_start3A_49 = tpu.memref_slice %arg11[%add3A_8, %dma_start3A_48] : memref<10240x128xf32, #tpu.memory_space<vmem_shared>> -> memref<128x128xf32, #tpu.memory_space<vmem_shared>>
      %dma_start3A_50 = arith.constant 0 : i32
      %dma_start3A_51 = tpu.memref_slice %arg11[%add3A_8, %dma_start3A_50] : memref<10240x128xf32, #tpu.memory_space<vmem_shared>> -> memref<128x128xf32, #tpu.memory_space<vmem_shared>>
      tpu.enqueue_dma source(%arg9 : memref<128x128xf32, #tpu.memory_space<vmem>>) target(%dma_start3A_51 : memref<128x128xf32, #tpu.memory_space<vmem_shared>>) target_semaphore(%run_scoped3A : memref<!tpu.dma_semaphore, #tpu.memory_space<semaphore_mem>>)
      %dma_wait3A = arith.constant 0 : i32
      %dma_wait3A_52 = tpu.memref_slice %arg11[%add3A_8, %dma_wait3A] : memref<10240x128xf32, #tpu.memory_space<vmem_shared>> -> memref<128x128xf32, #tpu.memory_space<vmem_shared>>
      %dma_wait3A_53 = arith.constant 0 : i32
      %dma_wait3A_54 = tpu.memref_slice %arg11[%add3A_8, %dma_wait3A_53] : memref<10240x128xf32, #tpu.memory_space<vmem_shared>> -> memref<128x128xf32, #tpu.memory_space<vmem_shared>>
      tpu.wait_dma2 semaphore(%run_scoped3A : memref<!tpu.dma_semaphore, #tpu.memory_space<semaphore_mem>>) src(%arg9 : memref<128x128xf32, #tpu.memory_space<vmem>>) dst(%dma_wait3A_54 : memref<128x128xf32, #tpu.memory_space<vmem_shared>>)
      tpu.yield
    }) : () -> ()
    %add3A_9 = arith.constant 384 : i32
    %add3A_10 = arith.addi %mul3A_2, %add3A_9 : i32
    "tpu.region"() ({
      %run_scoped3A = tpu.sem_alloc : memref<!tpu.dma_semaphore, #tpu.memory_space<semaphore_mem>>
      %dma_start3A_48 = arith.constant 0 : i32
      %dma_start3A_49 = tpu.memref_slice %arg11[%add3A_10, %dma_start3A_48] : memref<10240x128xf32, #tpu.memory_space<vmem_shared>> -> memref<128x128xf32, #tpu.memory_space<vmem_shared>>
      %dma_start3A_50 = arith.constant 0 : i32
      %dma_start3A_51 = tpu.memref_slice %arg11[%add3A_10, %dma_start3A_50] : memref<10240x128xf32, #tpu.memory_space<vmem_shared>> -> memref<128x128xf32, #tpu.memory_space<vmem_shared>>
      tpu.enqueue_dma source(%arg9 : memref<128x128xf32, #tpu.memory_space<vmem>>) target(%dma_start3A_51 : memref<128x128xf32, #tpu.memory_space<vmem_shared>>) target_semaphore(%run_scoped3A : memref<!tpu.dma_semaphore, #tpu.memory_space<semaphore_mem>>)
      %dma_wait3A = arith.constant 0 : i32
      %dma_wait3A_52 = tpu.memref_slice %arg11[%add3A_10, %dma_wait3A] : memref<10240x128xf32, #tpu.memory_space<vmem_shared>> -> memref<128x128xf32, #tpu.memory_space<vmem_shared>>
      %dma_wait3A_53 = arith.constant 0 : i32
      %dma_wait3A_54 = tpu.memref_slice %arg11[%add3A_10, %dma_wait3A_53] : memref<10240x128xf32, #tpu.memory_space<vmem_shared>> -> memref<128x128xf32, #tpu.memory_space<vmem_shared>>
      tpu.wait_dma2 semaphore(%run_scoped3A : memref<!tpu.dma_semaphore, #tpu.memory_space<semaphore_mem>>) src(%arg9 : memref<128x128xf32, #tpu.memory_space<vmem>>) dst(%dma_wait3A_54 : memref<128x128xf32, #tpu.memory_space<vmem_shared>>)
      tpu.yield
    }) : () -> ()
    %add3A_11 = arith.constant 512 : i32
    %add3A_12 = arith.addi %mul3A_2, %add3A_11 : i32
    "tpu.region"() ({
      %run_scoped3A = tpu.sem_alloc : memref<!tpu.dma_semaphore, #tpu.memory_space<semaphore_mem>>
      %dma_start3A_48 = arith.constant 0 : i32
      %dma_start3A_49 = tpu.memref_slice %arg11[%add3A_12, %dma_start3A_48] : memref<10240x128xf32, #tpu.memory_space<vmem_shared>> -> memref<128x128xf32, #tpu.memory_space<vmem_shared>>
      %dma_start3A_50 = arith.constant 0 : i32
      %dma_start3A_51 = tpu.memref_slice %arg11[%add3A_12, %dma_start3A_50] : memref<10240x128xf32, #tpu.memory_space<vmem_shared>> -> memref<128x128xf32, #tpu.memory_space<vmem_shared>>
      tpu.enqueue_dma source(%arg9 : memref<128x128xf32, #tpu.memory_space<vmem>>) target(%dma_start3A_51 : memref<128x128xf32, #tpu.memory_space<vmem_shared>>) target_semaphore(%run_scoped3A : memref<!tpu.dma_semaphore, #tpu.memory_space<semaphore_mem>>)
      %dma_wait3A = arith.constant 0 : i32
      %dma_wait3A_52 = tpu.memref_slice %arg11[%add3A_12, %dma_wait3A] : memref<10240x128xf32, #tpu.memory_space<vmem_shared>> -> memref<128x128xf32, #tpu.memory_space<vmem_shared>>
      %dma_wait3A_53 = arith.constant 0 : i32
      %dma_wait3A_54 = tpu.memref_slice %arg11[%add3A_12, %dma_wait3A_53] : memref<10240x128xf32, #tpu.memory_space<vmem_shared>> -> memref<128x128xf32, #tpu.memory_space<vmem_shared>>
      tpu.wait_dma2 semaphore(%run_scoped3A : memref<!tpu.dma_semaphore, #tpu.memory_space<semaphore_mem>>) src(%arg9 : memref<128x128xf32, #tpu.memory_space<vmem>>) dst(%dma_wait3A_54 : memref<128x128xf32, #tpu.memory_space<vmem_shared>>)
      tpu.yield
    }) : () -> ()
    %barrier3A = arith.constant 0 : index
    tpu.barrier barrier_id(%barrier3A)
    "tpu.region"() ({
      %run_scoped3A = tpu.sem_alloc : memref<!tpu.dma_semaphore, #tpu.memory_space<semaphore_mem>>
      %dma_start3A_48 = arith.constant 0 : i32
      %dma_start3A_49 = arith.constant 0 : i32
      %dma_start3A_50 = tpu.memref_slice %arg3[%add3A, %dma_start3A_48, %dma_start3A_49] : memref<32x80x128xi32, #tpu.memory_space<hbm>> -> memref<1x40x128xi32, #tpu.memory_space<hbm>>
      %dma_start3A_51 = tpu.memref_squeeze %dma_start3A_50 : memref<1x40x128xi32, #tpu.memory_space<hbm>> -> memref<40x128xi32, #tpu.memory_space<hbm>>
      %dma_start3A_52 = arith.constant 0 : i32
      %dma_start3A_53 = arith.constant 0 : i32
      %dma_start3A_54 = tpu.memref_slice %arg3[%add3A, %dma_start3A_52, %dma_start3A_53] : memref<32x80x128xi32, #tpu.memory_space<hbm>> -> memref<1x40x128xi32, #tpu.memory_space<hbm>>
      %dma_start3A_55 = tpu.memref_squeeze %dma_start3A_54 : memref<1x40x128xi32, #tpu.memory_space<hbm>> -> memref<40x128xi32, #tpu.memory_space<hbm>>
      tpu.enqueue_dma source(%dma_start3A_55 : memref<40x128xi32, #tpu.memory_space<hbm>>) target(%arg7 : memref<40x128xi32, #tpu.memory_space<vmem>>) target_semaphore(%run_scoped3A : memref<!tpu.dma_semaphore, #tpu.memory_space<semaphore_mem>>)
      %dma_wait3A = arith.constant 0 : i32
      %dma_wait3A_56 = arith.constant 0 : i32
      %dma_wait3A_57 = tpu.memref_slice %arg3[%add3A, %dma_wait3A, %dma_wait3A_56] : memref<32x80x128xi32, #tpu.memory_space<hbm>> -> memref<1x40x128xi32, #tpu.memory_space<hbm>>
      %dma_wait3A_58 = tpu.memref_squeeze %dma_wait3A_57 : memref<1x40x128xi32, #tpu.memory_space<hbm>> -> memref<40x128xi32, #tpu.memory_space<hbm>>
      %dma_wait3A_59 = arith.constant 0 : i32
      %dma_wait3A_60 = arith.constant 0 : i32
      %dma_wait3A_61 = tpu.memref_slice %arg3[%add3A, %dma_wait3A_59, %dma_wait3A_60] : memref<32x80x128xi32, #tpu.memory_space<hbm>> -> memref<1x40x128xi32, #tpu.memory_space<hbm>>
      %dma_wait3A_62 = tpu.memref_squeeze %dma_wait3A_61 : memref<1x40x128xi32, #tpu.memory_space<hbm>> -> memref<40x128xi32, #tpu.memory_space<hbm>>
      tpu.wait_dma2 semaphore(%run_scoped3A : memref<!tpu.dma_semaphore, #tpu.memory_space<semaphore_mem>>) src(%dma_wait3A_62 : memref<40x128xi32, #tpu.memory_space<hbm>>) dst(%arg7 : memref<40x128xi32, #tpu.memory_space<vmem>>)
      tpu.yield
    }) : () -> ()
    "tpu.region"() ({
      %run_scoped3A = tpu.sem_alloc : memref<!tpu.dma_semaphore, #tpu.memory_space<semaphore_mem>>
      %dma_start3A_48 = arith.constant 0 : i32
      %dma_start3A_49 = arith.constant 0 : i32
      %dma_start3A_50 = tpu.memref_slice %arg4[%add3A, %dma_start3A_48, %dma_start3A_49] : memref<32x80x128xi32, #tpu.memory_space<hbm>> -> memref<1x40x128xi32, #tpu.memory_space<hbm>>
      %dma_start3A_51 = tpu.memref_squeeze %dma_start3A_50 : memref<1x40x128xi32, #tpu.memory_space<hbm>> -> memref<40x128xi32, #tpu.memory_space<hbm>>
      %dma_start3A_52 = arith.constant 0 : i32
      %dma_start3A_53 = arith.constant 0 : i32
      %dma_start3A_54 = tpu.memref_slice %arg4[%add3A, %dma_start3A_52, %dma_start3A_53] : memref<32x80x128xi32, #tpu.memory_space<hbm>> -> memref<1x40x128xi32, #tpu.memory_space<hbm>>
      %dma_start3A_55 = tpu.memref_squeeze %dma_start3A_54 : memref<1x40x128xi32, #tpu.memory_space<hbm>> -> memref<40x128xi32, #tpu.memory_space<hbm>>
      tpu.enqueue_dma source(%dma_start3A_55 : memref<40x128xi32, #tpu.memory_space<hbm>>) target(%arg8 : memref<40x128xi32, #tpu.memory_space<vmem>>) target_semaphore(%run_scoped3A : memref<!tpu.dma_semaphore, #tpu.memory_space<semaphore_mem>>)
      %dma_wait3A = arith.constant 0 : i32
      %dma_wait3A_56 = arith.constant 0 : i32
      %dma_wait3A_57 = tpu.memref_slice %arg4[%add3A, %dma_wait3A, %dma_wait3A_56] : memref<32x80x128xi32, #tpu.memory_space<hbm>> -> memref<1x40x128xi32, #tpu.memory_space<hbm>>
      %dma_wait3A_58 = tpu.memref_squeeze %dma_wait3A_57 : memref<1x40x128xi32, #tpu.memory_space<hbm>> -> memref<40x128xi32, #tpu.memory_space<hbm>>
      %dma_wait3A_59 = arith.constant 0 : i32
      %dma_wait3A_60 = arith.constant 0 : i32
      %dma_wait3A_61 = tpu.memref_slice %arg4[%add3A, %dma_wait3A_59, %dma_wait3A_60] : memref<32x80x128xi32, #tpu.memory_space<hbm>> -> memref<1x40x128xi32, #tpu.memory_space<hbm>>
      %dma_wait3A_62 = tpu.memref_squeeze %dma_wait3A_61 : memref<1x40x128xi32, #tpu.memory_space<hbm>> -> memref<40x128xi32, #tpu.memory_space<hbm>>
      tpu.wait_dma2 semaphore(%run_scoped3A : memref<!tpu.dma_semaphore, #tpu.memory_space<semaphore_mem>>) src(%dma_wait3A_62 : memref<40x128xi32, #tpu.memory_space<hbm>>) dst(%arg8 : memref<40x128xi32, #tpu.memory_space<vmem>>)
      tpu.yield
    }) : () -> ()
    %dma_start3A = arith.constant 0 : i32
    %dma_start3A_13 = arith.constant 0 : i32
    %dma_start3A_14 = tpu.memref_slice %arg7[%dma_start3A, %dma_start3A_13] : memref<40x128xi32, #tpu.memory_space<vmem>> -> memref<1x128xi32, #tpu.memory_space<vmem>>
    %dma_start3A_15 = tpu.memref_squeeze %dma_start3A_14 : memref<1x128xi32, #tpu.memory_space<vmem>> -> memref<128xi32, #tpu.memory_space<vmem>>
    %dma_start3A_16 = arith.constant 0 : i32
    %dma_start3A_17 = arith.constant 0 : i32
    %dma_start3A_18 = tpu.memref_slice %arg2[%dma_start3A_16, %dma_start3A_17] : memref<10000x128xf32, #tpu.memory_space<hbm>> -> memref<10000x128xf32, #tpu.memory_space<hbm>>
    tpu.enqueue_indirect_dma source(%dma_start3A_18 : memref<10000x128xf32, #tpu.memory_space<hbm>>) target(%arg9 : memref<128x128xf32, #tpu.memory_space<vmem>>) offsets(%dma_start3A_15 : memref<128xi32, #tpu.memory_space<vmem>>) semaphore(%arg12 : memref<!tpu.dma_semaphore, #tpu.memory_space<semaphore_mem>>)
    %scan3A = arith.constant 0 : i32
    %scan3A_19 = arith.constant 0 : i32
    %scan3A_20 = arith.constant 20 : i32
    %scan3A_21 = arith.addi %scan3A_19, %scan3A_20 : i32
    %scan3A_22 = arith.constant 1 : i32
    scf.for %scan3A_48 = %scan3A_19 to %scan3A_21 step %scan3A_22  : i32 {
      %mul3A_49 = arith.constant 2 : i32
      %mul3A_50 = arith.muli %mul3A_49, %scan3A_48 : i32
      %add3A_51 = arith.constant 1 : i32
      %add3A_52 = arith.addi %mul3A_50, %add3A_51 : i32
      %dma_start3A_53 = arith.constant 0 : i32
      %dma_start3A_54 = tpu.memref_slice %arg7[%add3A_52, %dma_start3A_53] : memref<40x128xi32, #tpu.memory_space<vmem>> -> memref<1x128xi32, #tpu.memory_space<vmem>>
      %dma_start3A_55 = tpu.memref_squeeze %dma_start3A_54 : memref<1x128xi32, #tpu.memory_space<vmem>> -> memref<128xi32, #tpu.memory_space<vmem>>
      %dma_start3A_56 = arith.constant 0 : i32
      %dma_start3A_57 = arith.constant 0 : i32
      %dma_start3A_58 = tpu.memref_slice %arg2[%dma_start3A_56, %dma_start3A_57] : memref<10000x128xf32, #tpu.memory_space<hbm>> -> memref<10000x128xf32, #tpu.memory_space<hbm>>
      tpu.enqueue_indirect_dma source(%dma_start3A_58 : memref<10000x128xf32, #tpu.memory_space<hbm>>) target(%arg10 : memref<128x128xf32, #tpu.memory_space<vmem>>) offsets(%dma_start3A_55 : memref<128xi32, #tpu.memory_space<vmem>>) semaphore(%arg13 : memref<!tpu.dma_semaphore, #tpu.memory_space<semaphore_mem>>)
      %dma_wait3A = arith.constant 0 : i32
      %dma_wait3A_59 = arith.constant 0 : i32
      %dma_wait3A_60 = tpu.memref_slice %arg2[%dma_wait3A, %dma_wait3A_59] : memref<10000x128xf32, #tpu.memory_space<hbm>> -> memref<128x128xf32, #tpu.memory_space<hbm>>
      %dma_wait3A_61 = arith.constant 0 : i32
      %dma_wait3A_62 = arith.constant 0 : i32
      %dma_wait3A_63 = tpu.memref_slice %arg2[%dma_wait3A_61, %dma_wait3A_62] : memref<10000x128xf32, #tpu.memory_space<hbm>> -> memref<128x128xf32, #tpu.memory_space<hbm>>
      tpu.wait_dma2 semaphore(%arg12 : memref<!tpu.dma_semaphore, #tpu.memory_space<semaphore_mem>>) src(%dma_wait3A_63 : memref<128x128xf32, #tpu.memory_space<hbm>>) dst(%arg9 : memref<128x128xf32, #tpu.memory_space<vmem>>)
      %mul3A_64 = arith.constant 2 : i32
      %mul3A_65 = arith.muli %mul3A_64, %scan3A_48 : i32
      "tpu.region"() ({
        %run_scoped3A = tpu.sem_alloc : memref<!tpu.dma_semaphore, #tpu.memory_space<semaphore_mem>>
        %dma_start3A_78 = arith.constant 0 : i32
        %dma_start3A_79 = tpu.memref_slice %arg8[%mul3A_65, %dma_start3A_78] : memref<40x128xi32, #tpu.memory_space<vmem>> -> memref<1x128xi32, #tpu.memory_space<vmem>>
        %dma_start3A_80 = tpu.memref_squeeze %dma_start3A_79 : memref<1x128xi32, #tpu.memory_space<vmem>> -> memref<128xi32, #tpu.memory_space<vmem>>
        %dma_start3A_81 = arith.constant 0 : i32
        %dma_start3A_82 = arith.constant 0 : i32
        %dma_start3A_83 = tpu.memref_slice %arg11[%dma_start3A_81, %dma_start3A_82] : memref<10240x128xf32, #tpu.memory_space<vmem_shared>> -> memref<10240x128xf32, #tpu.memory_space<vmem_shared>>
        tpu.enqueue_indirect_dma source(%arg9 : memref<128x128xf32, #tpu.memory_space<vmem>>) target(%dma_start3A_83 : memref<10240x128xf32, #tpu.memory_space<vmem_shared>>) offsets(%dma_start3A_80 : memref<128xi32, #tpu.memory_space<vmem>>) semaphore(%run_scoped3A : memref<!tpu.dma_semaphore, #tpu.memory_space<semaphore_mem>>) {add = true}
        %dma_wait3A_84 = arith.constant 0 : i32
        %dma_wait3A_85 = tpu.memref_slice %arg8[%mul3A_65, %dma_wait3A_84] : memref<40x128xi32, #tpu.memory_space<vmem>> -> memref<1x128xi32, #tpu.memory_space<vmem>>
        %dma_wait3A_86 = tpu.memref_squeeze %dma_wait3A_85 : memref<1x128xi32, #tpu.memory_space<vmem>> -> memref<128xi32, #tpu.memory_space<vmem>>
        %dma_wait3A_87 = arith.constant 0 : i32
        %dma_wait3A_88 = arith.constant 0 : i32
        %dma_wait3A_89 = tpu.memref_slice %arg11[%dma_wait3A_87, %dma_wait3A_88] : memref<10240x128xf32, #tpu.memory_space<vmem_shared>> -> memref<10240x128xf32, #tpu.memory_space<vmem_shared>>
        tpu.wait_indirect_dma semaphore(%run_scoped3A : memref<!tpu.dma_semaphore, #tpu.memory_space<semaphore_mem>>) src(%arg9 : memref<128x128xf32, #tpu.memory_space<vmem>>) dst(%dma_wait3A_89 : memref<10240x128xf32, #tpu.memory_space<vmem_shared>>)
        tpu.yield
      }) : () -> ()
      %lt3A = arith.constant 19 : i32
      %lt3A_66 = arith.cmpi slt, %scan3A_48, %lt3A : i32
      %convert_element_type3A = arith.extui %lt3A_66 : i1 to i32
      %cond3A = arith.constant 0 : i32
      %cond3A_67 = arith.cmpi ne, %convert_element_type3A, %cond3A : i32
      scf.if %cond3A_67 {
        %mul3A_78 = arith.constant 2 : i32
        %mul3A_79 = arith.muli %mul3A_78, %scan3A_48 : i32
        %add3A_80 = arith.constant 2 : i32
        %add3A_81 = arith.addi %mul3A_79, %add3A_80 : i32
        %dma_start3A_82 = arith.constant 0 : i32
        %dma_start3A_83 = tpu.memref_slice %arg7[%add3A_81, %dma_start3A_82] : memref<40x128xi32, #tpu.memory_space<vmem>> -> memref<1x128xi32, #tpu.memory_space<vmem>>
        %dma_start3A_84 = tpu.memref_squeeze %dma_start3A_83 : memref<1x128xi32, #tpu.memory_space<vmem>> -> memref<128xi32, #tpu.memory_space<vmem>>
        %dma_start3A_85 = arith.constant 0 : i32
        %dma_start3A_86 = arith.constant 0 : i32
        %dma_start3A_87 = tpu.memref_slice %arg2[%dma_start3A_85, %dma_start3A_86] : memref<10000x128xf32, #tpu.memory_space<hbm>> -> memref<10000x128xf32, #tpu.memory_space<hbm>>
        tpu.enqueue_indirect_dma source(%dma_start3A_87 : memref<10000x128xf32, #tpu.memory_space<hbm>>) target(%arg9 : memref<128x128xf32, #tpu.memory_space<vmem>>) offsets(%dma_start3A_84 : memref<128xi32, #tpu.memory_space<vmem>>) semaphore(%arg12 : memref<!tpu.dma_semaphore, #tpu.memory_space<semaphore_mem>>)
      } else {
      }
      %dma_wait3A_68 = arith.constant 0 : i32
      %dma_wait3A_69 = arith.constant 0 : i32
      %dma_wait3A_70 = tpu.memref_slice %arg2[%dma_wait3A_68, %dma_wait3A_69] : memref<10000x128xf32, #tpu.memory_space<hbm>> -> memref<128x128xf32, #tpu.memory_space<hbm>>
      %dma_wait3A_71 = arith.constant 0 : i32
      %dma_wait3A_72 = arith.constant 0 : i32
      %dma_wait3A_73 = tpu.memref_slice %arg2[%dma_wait3A_71, %dma_wait3A_72] : memref<10000x128xf32, #tpu.memory_space<hbm>> -> memref<128x128xf32, #tpu.memory_space<hbm>>
      tpu.wait_dma2 semaphore(%arg13 : memref<!tpu.dma_semaphore, #tpu.memory_space<semaphore_mem>>) src(%dma_wait3A_73 : memref<128x128xf32, #tpu.memory_space<hbm>>) dst(%arg10 : memref<128x128xf32, #tpu.memory_space<vmem>>)
      %mul3A_74 = arith.constant 2 : i32
      %mul3A_75 = arith.muli %mul3A_74, %scan3A_48 : i32
      %add3A_76 = arith.constant 1 : i32
      %add3A_77 = arith.addi %mul3A_75, %add3A_76 : i32
      "tpu.region"() ({
        %run_scoped3A = tpu.sem_alloc : memref<!tpu.dma_semaphore, #tpu.memory_space<semaphore_mem>>
        %dma_start3A_78 = arith.constant 0 : i32
        %dma_start3A_79 = tpu.memref_slice %arg8[%add3A_77, %dma_start3A_78] : memref<40x128xi32, #tpu.memory_space<vmem>> -> memref<1x128xi32, #tpu.memory_space<vmem>>
        %dma_start3A_80 = tpu.memref_squeeze %dma_start3A_79 : memref<1x128xi32, #tpu.memory_space<vmem>> -> memref<128xi32, #tpu.memory_space<vmem>>
        %dma_start3A_81 = arith.constant 0 : i32
        %dma_start3A_82 = arith.constant 0 : i32
        %dma_start3A_83 = tpu.memref_slice %arg11[%dma_start3A_81, %dma_start3A_82] : memref<10240x128xf32, #tpu.memory_space<vmem_shared>> -> memref<10240x128xf32, #tpu.memory_space<vmem_shared>>
        tpu.enqueue_indirect_dma source(%arg10 : memref<128x128xf32, #tpu.memory_space<vmem>>) target(%dma_start3A_83 : memref<10240x128xf32, #tpu.memory_space<vmem_shared>>) offsets(%dma_start3A_80 : memref<128xi32, #tpu.memory_space<vmem>>) semaphore(%run_scoped3A : memref<!tpu.dma_semaphore, #tpu.memory_space<semaphore_mem>>) {add = true}
        %dma_wait3A_84 = arith.constant 0 : i32
        %dma_wait3A_85 = tpu.memref_slice %arg8[%add3A_77, %dma_wait3A_84] : memref<40x128xi32, #tpu.memory_space<vmem>> -> memref<1x128xi32, #tpu.memory_space<vmem>>
        %dma_wait3A_86 = tpu.memref_squeeze %dma_wait3A_85 : memref<1x128xi32, #tpu.memory_space<vmem>> -> memref<128xi32, #tpu.memory_space<vmem>>
        %dma_wait3A_87 = arith.constant 0 : i32
        %dma_wait3A_88 = arith.constant 0 : i32
        %dma_wait3A_89 = tpu.memref_slice %arg11[%dma_wait3A_87, %dma_wait3A_88] : memref<10240x128xf32, #tpu.memory_space<vmem_shared>> -> memref<10240x128xf32, #tpu.memory_space<vmem_shared>>
        tpu.wait_indirect_dma semaphore(%run_scoped3A : memref<!tpu.dma_semaphore, #tpu.memory_space<semaphore_mem>>) src(%arg10 : memref<128x128xf32, #tpu.memory_space<vmem>>) dst(%dma_wait3A_89 : memref<10240x128xf32, #tpu.memory_space<vmem_shared>>)
        tpu.yield
      }) : () -> ()
    }
    %scan3A_23 = arith.constant 20 : i32
    "tpu.region"() ({
      %run_scoped3A = tpu.sem_alloc : memref<!tpu.dma_semaphore, #tpu.memory_space<semaphore_mem>>
      %dma_start3A_48 = arith.constant 40 : i32
      %dma_start3A_49 = arith.constant 0 : i32
      %dma_start3A_50 = tpu.memref_slice %arg3[%add3A, %dma_start3A_48, %dma_start3A_49] : memref<32x80x128xi32, #tpu.memory_space<hbm>> -> memref<1x40x128xi32, #tpu.memory_space<hbm>>
      %dma_start3A_51 = tpu.memref_squeeze %dma_start3A_50 : memref<1x40x128xi32, #tpu.memory_space<hbm>> -> memref<40x128xi32, #tpu.memory_space<hbm>>
      %dma_start3A_52 = arith.constant 40 : i32
      %dma_start3A_53 = arith.constant 0 : i32
      %dma_start3A_54 = tpu.memref_slice %arg3[%add3A, %dma_start3A_52, %dma_start3A_53] : memref<32x80x128xi32, #tpu.memory_space<hbm>> -> memref<1x40x128xi32, #tpu.memory_space<hbm>>
      %dma_start3A_55 = tpu.memref_squeeze %dma_start3A_54 : memref<1x40x128xi32, #tpu.memory_space<hbm>> -> memref<40x128xi32, #tpu.memory_space<hbm>>
      tpu.enqueue_dma source(%dma_start3A_55 : memref<40x128xi32, #tpu.memory_space<hbm>>) target(%arg7 : memref<40x128xi32, #tpu.memory_space<vmem>>) target_semaphore(%run_scoped3A : memref<!tpu.dma_semaphore, #tpu.memory_space<semaphore_mem>>)
      %dma_wait3A = arith.constant 40 : i32
      %dma_wait3A_56 = arith.constant 0 : i32
      %dma_wait3A_57 = tpu.memref_slice %arg3[%add3A, %dma_wait3A, %dma_wait3A_56] : memref<32x80x128xi32, #tpu.memory_space<hbm>> -> memref<1x40x128xi32, #tpu.memory_space<hbm>>
      %dma_wait3A_58 = tpu.memref_squeeze %dma_wait3A_57 : memref<1x40x128xi32, #tpu.memory_space<hbm>> -> memref<40x128xi32, #tpu.memory_space<hbm>>
      %dma_wait3A_59 = arith.constant 40 : i32
      %dma_wait3A_60 = arith.constant 0 : i32
      %dma_wait3A_61 = tpu.memref_slice %arg3[%add3A, %dma_wait3A_59, %dma_wait3A_60] : memref<32x80x128xi32, #tpu.memory_space<hbm>> -> memref<1x40x128xi32, #tpu.memory_space<hbm>>
      %dma_wait3A_62 = tpu.memref_squeeze %dma_wait3A_61 : memref<1x40x128xi32, #tpu.memory_space<hbm>> -> memref<40x128xi32, #tpu.memory_space<hbm>>
      tpu.wait_dma2 semaphore(%run_scoped3A : memref<!tpu.dma_semaphore, #tpu.memory_space<semaphore_mem>>) src(%dma_wait3A_62 : memref<40x128xi32, #tpu.memory_space<hbm>>) dst(%arg7 : memref<40x128xi32, #tpu.memory_space<vmem>>)
      tpu.yield
    }) : () -> ()
    "tpu.region"() ({
      %run_scoped3A = tpu.sem_alloc : memref<!tpu.dma_semaphore, #tpu.memory_space<semaphore_mem>>
      %dma_start3A_48 = arith.constant 40 : i32
      %dma_start3A_49 = arith.constant 0 : i32
      %dma_start3A_50 = tpu.memref_slice %arg4[%add3A, %dma_start3A_48, %dma_start3A_49] : memref<32x80x128xi32, #tpu.memory_space<hbm>> -> memref<1x40x128xi32, #tpu.memory_space<hbm>>
      %dma_start3A_51 = tpu.memref_squeeze %dma_start3A_50 : memref<1x40x128xi32, #tpu.memory_space<hbm>> -> memref<40x128xi32, #tpu.memory_space<hbm>>
      %dma_start3A_52 = arith.constant 40 : i32
      %dma_start3A_53 = arith.constant 0 : i32
      %dma_start3A_54 = tpu.memref_slice %arg4[%add3A, %dma_start3A_52, %dma_start3A_53] : memref<32x80x128xi32, #tpu.memory_space<hbm>> -> memref<1x40x128xi32, #tpu.memory_space<hbm>>
      %dma_start3A_55 = tpu.memref_squeeze %dma_start3A_54 : memref<1x40x128xi32, #tpu.memory_space<hbm>> -> memref<40x128xi32, #tpu.memory_space<hbm>>
      tpu.enqueue_dma source(%dma_start3A_55 : memref<40x128xi32, #tpu.memory_space<hbm>>) target(%arg8 : memref<40x128xi32, #tpu.memory_space<vmem>>) target_semaphore(%run_scoped3A : memref<!tpu.dma_semaphore, #tpu.memory_space<semaphore_mem>>)
      %dma_wait3A = arith.constant 40 : i32
      %dma_wait3A_56 = arith.constant 0 : i32
      %dma_wait3A_57 = tpu.memref_slice %arg4[%add3A, %dma_wait3A, %dma_wait3A_56] : memref<32x80x128xi32, #tpu.memory_space<hbm>> -> memref<1x40x128xi32, #tpu.memory_space<hbm>>
      %dma_wait3A_58 = tpu.memref_squeeze %dma_wait3A_57 : memref<1x40x128xi32, #tpu.memory_space<hbm>> -> memref<40x128xi32, #tpu.memory_space<hbm>>
      %dma_wait3A_59 = arith.constant 40 : i32
      %dma_wait3A_60 = arith.constant 0 : i32
      %dma_wait3A_61 = tpu.memref_slice %arg4[%add3A, %dma_wait3A_59, %dma_wait3A_60] : memref<32x80x128xi32, #tpu.memory_space<hbm>> -> memref<1x40x128xi32, #tpu.memory_space<hbm>>
      %dma_wait3A_62 = tpu.memref_squeeze %dma_wait3A_61 : memref<1x40x128xi32, #tpu.memory_space<hbm>> -> memref<40x128xi32, #tpu.memory_space<hbm>>
      tpu.wait_dma2 semaphore(%run_scoped3A : memref<!tpu.dma_semaphore, #tpu.memory_space<semaphore_mem>>) src(%dma_wait3A_62 : memref<40x128xi32, #tpu.memory_space<hbm>>) dst(%arg8 : memref<40x128xi32, #tpu.memory_space<vmem>>)
      tpu.yield
    }) : () -> ()
    %dma_start3A_24 = arith.constant 0 : i32
    %dma_start3A_25 = arith.constant 0 : i32
    %dma_start3A_26 = tpu.memref_slice %arg7[%dma_start3A_24, %dma_start3A_25] : memref<40x128xi32, #tpu.memory_space<vmem>> -> memref<1x128xi32, #tpu.memory_space<vmem>>
    %dma_start3A_27 = tpu.memref_squeeze %dma_start3A_26 : memref<1x128xi32, #tpu.memory_space<vmem>> -> memref<128xi32, #tpu.memory_space<vmem>>
    %dma_start3A_28 = arith.constant 0 : i32
    %dma_start3A_29 = arith.constant 0 : i32
    %dma_start3A_30 = tpu.memref_slice %arg2[%dma_start3A_28, %dma_start3A_29] : memref<10000x128xf32, #tpu.memory_space<hbm>> -> memref<10000x128xf32, #tpu.memory_space<hbm>>
    tpu.enqueue_indirect_dma source(%dma_start3A_30 : memref<10000x128xf32, #tpu.memory_space<hbm>>) target(%arg9 : memref<128x128xf32, #tpu.memory_space<vmem>>) offsets(%dma_start3A_27 : memref<128xi32, #tpu.memory_space<vmem>>) semaphore(%arg12 : memref<!tpu.dma_semaphore, #tpu.memory_space<semaphore_mem>>)
    %scan3A_31 = arith.constant 0 : i32
    %scan3A_32 = arith.constant 0 : i32
    %scan3A_33 = arith.constant 20 : i32
    %scan3A_34 = arith.addi %scan3A_32, %scan3A_33 : i32
    %scan3A_35 = arith.constant 1 : i32
    scf.for %scan3A_48 = %scan3A_32 to %scan3A_34 step %scan3A_35  : i32 {
      %mul3A_49 = arith.constant 2 : i32
      %mul3A_50 = arith.muli %mul3A_49, %scan3A_48 : i32
      %add3A_51 = arith.constant 1 : i32
      %add3A_52 = arith.addi %mul3A_50, %add3A_51 : i32
      %dma_start3A_53 = arith.constant 0 : i32
      %dma_start3A_54 = tpu.memref_slice %arg7[%add3A_52, %dma_start3A_53] : memref<40x128xi32, #tpu.memory_space<vmem>> -> memref<1x128xi32, #tpu.memory_space<vmem>>
      %dma_start3A_55 = tpu.memref_squeeze %dma_start3A_54 : memref<1x128xi32, #tpu.memory_space<vmem>> -> memref<128xi32, #tpu.memory_space<vmem>>
      %dma_start3A_56 = arith.constant 0 : i32
      %dma_start3A_57 = arith.constant 0 : i32
      %dma_start3A_58 = tpu.memref_slice %arg2[%dma_start3A_56, %dma_start3A_57] : memref<10000x128xf32, #tpu.memory_space<hbm>> -> memref<10000x128xf32, #tpu.memory_space<hbm>>
      tpu.enqueue_indirect_dma source(%dma_start3A_58 : memref<10000x128xf32, #tpu.memory_space<hbm>>) target(%arg10 : memref<128x128xf32, #tpu.memory_space<vmem>>) offsets(%dma_start3A_55 : memref<128xi32, #tpu.memory_space<vmem>>) semaphore(%arg13 : memref<!tpu.dma_semaphore, #tpu.memory_space<semaphore_mem>>)
      %dma_wait3A = arith.constant 0 : i32
      %dma_wait3A_59 = arith.constant 0 : i32
      %dma_wait3A_60 = tpu.memref_slice %arg2[%dma_wait3A, %dma_wait3A_59] : memref<10000x128xf32, #tpu.memory_space<hbm>> -> memref<128x128xf32, #tpu.memory_space<hbm>>
      %dma_wait3A_61 = arith.constant 0 : i32
      %dma_wait3A_62 = arith.constant 0 : i32
      %dma_wait3A_63 = tpu.memref_slice %arg2[%dma_wait3A_61, %dma_wait3A_62] : memref<10000x128xf32, #tpu.memory_space<hbm>> -> memref<128x128xf32, #tpu.memory_space<hbm>>
      tpu.wait_dma2 semaphore(%arg12 : memref<!tpu.dma_semaphore, #tpu.memory_space<semaphore_mem>>) src(%dma_wait3A_63 : memref<128x128xf32, #tpu.memory_space<hbm>>) dst(%arg9 : memref<128x128xf32, #tpu.memory_space<vmem>>)
      %mul3A_64 = arith.constant 2 : i32
      %mul3A_65 = arith.muli %mul3A_64, %scan3A_48 : i32
      "tpu.region"() ({
        %run_scoped3A = tpu.sem_alloc : memref<!tpu.dma_semaphore, #tpu.memory_space<semaphore_mem>>
        %dma_start3A_78 = arith.constant 0 : i32
        %dma_start3A_79 = tpu.memref_slice %arg8[%mul3A_65, %dma_start3A_78] : memref<40x128xi32, #tpu.memory_space<vmem>> -> memref<1x128xi32, #tpu.memory_space<vmem>>
        %dma_start3A_80 = tpu.memref_squeeze %dma_start3A_79 : memref<1x128xi32, #tpu.memory_space<vmem>> -> memref<128xi32, #tpu.memory_space<vmem>>
        %dma_start3A_81 = arith.constant 0 : i32
        %dma_start3A_82 = arith.constant 0 : i32
        %dma_start3A_83 = tpu.memref_slice %arg11[%dma_start3A_81, %dma_start3A_82] : memref<10240x128xf32, #tpu.memory_space<vmem_shared>> -> memref<10240x128xf32, #tpu.memory_space<vmem_shared>>
        tpu.enqueue_indirect_dma source(%arg9 : memref<128x128xf32, #tpu.memory_space<vmem>>) target(%dma_start3A_83 : memref<10240x128xf32, #tpu.memory_space<vmem_shared>>) offsets(%dma_start3A_80 : memref<128xi32, #tpu.memory_space<vmem>>) semaphore(%run_scoped3A : memref<!tpu.dma_semaphore, #tpu.memory_space<semaphore_mem>>) {add = true}
        %dma_wait3A_84 = arith.constant 0 : i32
        %dma_wait3A_85 = tpu.memref_slice %arg8[%mul3A_65, %dma_wait3A_84] : memref<40x128xi32, #tpu.memory_space<vmem>> -> memref<1x128xi32, #tpu.memory_space<vmem>>
        %dma_wait3A_86 = tpu.memref_squeeze %dma_wait3A_85 : memref<1x128xi32, #tpu.memory_space<vmem>> -> memref<128xi32, #tpu.memory_space<vmem>>
        %dma_wait3A_87 = arith.constant 0 : i32
        %dma_wait3A_88 = arith.constant 0 : i32
        %dma_wait3A_89 = tpu.memref_slice %arg11[%dma_wait3A_87, %dma_wait3A_88] : memref<10240x128xf32, #tpu.memory_space<vmem_shared>> -> memref<10240x128xf32, #tpu.memory_space<vmem_shared>>
        tpu.wait_indirect_dma semaphore(%run_scoped3A : memref<!tpu.dma_semaphore, #tpu.memory_space<semaphore_mem>>) src(%arg9 : memref<128x128xf32, #tpu.memory_space<vmem>>) dst(%dma_wait3A_89 : memref<10240x128xf32, #tpu.memory_space<vmem_shared>>)
        tpu.yield
      }) : () -> ()
      %lt3A = arith.constant 19 : i32
      %lt3A_66 = arith.cmpi slt, %scan3A_48, %lt3A : i32
      %convert_element_type3A = arith.extui %lt3A_66 : i1 to i32
      %cond3A = arith.constant 0 : i32
      %cond3A_67 = arith.cmpi ne, %convert_element_type3A, %cond3A : i32
      scf.if %cond3A_67 {
        %mul3A_78 = arith.constant 2 : i32
        %mul3A_79 = arith.muli %mul3A_78, %scan3A_48 : i32
        %add3A_80 = arith.constant 2 : i32
        %add3A_81 = arith.addi %mul3A_79, %add3A_80 : i32
        %dma_start3A_82 = arith.constant 0 : i32
        %dma_start3A_83 = tpu.memref_slice %arg7[%add3A_81, %dma_start3A_82] : memref<40x128xi32, #tpu.memory_space<vmem>> -> memref<1x128xi32, #tpu.memory_space<vmem>>
        %dma_start3A_84 = tpu.memref_squeeze %dma_start3A_83 : memref<1x128xi32, #tpu.memory_space<vmem>> -> memref<128xi32, #tpu.memory_space<vmem>>
        %dma_start3A_85 = arith.constant 0 : i32
        %dma_start3A_86 = arith.constant 0 : i32
        %dma_start3A_87 = tpu.memref_slice %arg2[%dma_start3A_85, %dma_start3A_86] : memref<10000x128xf32, #tpu.memory_space<hbm>> -> memref<10000x128xf32, #tpu.memory_space<hbm>>
        tpu.enqueue_indirect_dma source(%dma_start3A_87 : memref<10000x128xf32, #tpu.memory_space<hbm>>) target(%arg9 : memref<128x128xf32, #tpu.memory_space<vmem>>) offsets(%dma_start3A_84 : memref<128xi32, #tpu.memory_space<vmem>>) semaphore(%arg12 : memref<!tpu.dma_semaphore, #tpu.memory_space<semaphore_mem>>)
      } else {
      }
      %dma_wait3A_68 = arith.constant 0 : i32
      %dma_wait3A_69 = arith.constant 0 : i32
      %dma_wait3A_70 = tpu.memref_slice %arg2[%dma_wait3A_68, %dma_wait3A_69] : memref<10000x128xf32, #tpu.memory_space<hbm>> -> memref<128x128xf32, #tpu.memory_space<hbm>>
      %dma_wait3A_71 = arith.constant 0 : i32
      %dma_wait3A_72 = arith.constant 0 : i32
      %dma_wait3A_73 = tpu.memref_slice %arg2[%dma_wait3A_71, %dma_wait3A_72] : memref<10000x128xf32, #tpu.memory_space<hbm>> -> memref<128x128xf32, #tpu.memory_space<hbm>>
      tpu.wait_dma2 semaphore(%arg13 : memref<!tpu.dma_semaphore, #tpu.memory_space<semaphore_mem>>) src(%dma_wait3A_73 : memref<128x128xf32, #tpu.memory_space<hbm>>) dst(%arg10 : memref<128x128xf32, #tpu.memory_space<vmem>>)
      %mul3A_74 = arith.constant 2 : i32
      %mul3A_75 = arith.muli %mul3A_74, %scan3A_48 : i32
      %add3A_76 = arith.constant 1 : i32
      %add3A_77 = arith.addi %mul3A_75, %add3A_76 : i32
      "tpu.region"() ({
        %run_scoped3A = tpu.sem_alloc : memref<!tpu.dma_semaphore, #tpu.memory_space<semaphore_mem>>
        %dma_start3A_78 = arith.constant 0 : i32
        %dma_start3A_79 = tpu.memref_slice %arg8[%add3A_77, %dma_start3A_78] : memref<40x128xi32, #tpu.memory_space<vmem>> -> memref<1x128xi32, #tpu.memory_space<vmem>>
        %dma_start3A_80 = tpu.memref_squeeze %dma_start3A_79 : memref<1x128xi32, #tpu.memory_space<vmem>> -> memref<128xi32, #tpu.memory_space<vmem>>
        %dma_start3A_81 = arith.constant 0 : i32
        %dma_start3A_82 = arith.constant 0 : i32
        %dma_start3A_83 = tpu.memref_slice %arg11[%dma_start3A_81, %dma_start3A_82] : memref<10240x128xf32, #tpu.memory_space<vmem_shared>> -> memref<10240x128xf32, #tpu.memory_space<vmem_shared>>
        tpu.enqueue_indirect_dma source(%arg10 : memref<128x128xf32, #tpu.memory_space<vmem>>) target(%dma_start3A_83 : memref<10240x128xf32, #tpu.memory_space<vmem_shared>>) offsets(%dma_start3A_80 : memref<128xi32, #tpu.memory_space<vmem>>) semaphore(%run_scoped3A : memref<!tpu.dma_semaphore, #tpu.memory_space<semaphore_mem>>) {add = true}
        %dma_wait3A_84 = arith.constant 0 : i32
        %dma_wait3A_85 = tpu.memref_slice %arg8[%add3A_77, %dma_wait3A_84] : memref<40x128xi32, #tpu.memory_space<vmem>> -> memref<1x128xi32, #tpu.memory_space<vmem>>
        %dma_wait3A_86 = tpu.memref_squeeze %dma_wait3A_85 : memref<1x128xi32, #tpu.memory_space<vmem>> -> memref<128xi32, #tpu.memory_space<vmem>>
        %dma_wait3A_87 = arith.constant 0 : i32
        %dma_wait3A_88 = arith.constant 0 : i32
        %dma_wait3A_89 = tpu.memref_slice %arg11[%dma_wait3A_87, %dma_wait3A_88] : memref<10240x128xf32, #tpu.memory_space<vmem_shared>> -> memref<10240x128xf32, #tpu.memory_space<vmem_shared>>
        tpu.wait_indirect_dma semaphore(%run_scoped3A : memref<!tpu.dma_semaphore, #tpu.memory_space<semaphore_mem>>) src(%arg10 : memref<128x128xf32, #tpu.memory_space<vmem>>) dst(%dma_wait3A_89 : memref<10240x128xf32, #tpu.memory_space<vmem_shared>>)
        tpu.yield
      }) : () -> ()
    }
    %scan3A_36 = arith.constant 20 : i32
    %barrier3A_37 = arith.constant 0 : index
    tpu.barrier barrier_id(%barrier3A_37)
    %add3A_38 = arith.constant 0 : i32
    %add3A_39 = arith.addi %mul3A_2, %add3A_38 : i32
    "tpu.region"() ({
      %run_scoped3A = tpu.sem_alloc : memref<!tpu.dma_semaphore, #tpu.memory_space<semaphore_mem>>
      %dma_start3A_48 = arith.constant 0 : i32
      %dma_start3A_49 = tpu.memref_slice %arg11[%add3A_39, %dma_start3A_48] : memref<10240x128xf32, #tpu.memory_space<vmem_shared>> -> memref<128x128xf32, #tpu.memory_space<vmem_shared>>
      %dma_start3A_50 = arith.constant 0 : i32
      %dma_start3A_51 = tpu.memref_slice %arg11[%add3A_39, %dma_start3A_50] : memref<10240x128xf32, #tpu.memory_space<vmem_shared>> -> memref<128x128xf32, #tpu.memory_space<vmem_shared>>
      tpu.enqueue_dma source(%dma_start3A_51 : memref<128x128xf32, #tpu.memory_space<vmem_shared>>) target(%arg9 : memref<128x128xf32, #tpu.memory_space<vmem>>) target_semaphore(%run_scoped3A : memref<!tpu.dma_semaphore, #tpu.memory_space<semaphore_mem>>)
      %dma_wait3A = arith.constant 0 : i32
      %dma_wait3A_52 = tpu.memref_slice %arg11[%add3A_39, %dma_wait3A] : memref<10240x128xf32, #tpu.memory_space<vmem_shared>> -> memref<128x128xf32, #tpu.memory_space<vmem_shared>>
      %dma_wait3A_53 = arith.constant 0 : i32
      %dma_wait3A_54 = tpu.memref_slice %arg11[%add3A_39, %dma_wait3A_53] : memref<10240x128xf32, #tpu.memory_space<vmem_shared>> -> memref<128x128xf32, #tpu.memory_space<vmem_shared>>
      tpu.wait_dma2 semaphore(%run_scoped3A : memref<!tpu.dma_semaphore, #tpu.memory_space<semaphore_mem>>) src(%dma_wait3A_54 : memref<128x128xf32, #tpu.memory_space<vmem_shared>>) dst(%arg9 : memref<128x128xf32, #tpu.memory_space<vmem>>)
      tpu.yield
    }) : () -> ()
    "tpu.region"() ({
      %run_scoped3A = tpu.sem_alloc : memref<!tpu.dma_semaphore, #tpu.memory_space<semaphore_mem>>
      %dma_start3A_48 = arith.constant 0 : i32
      %dma_start3A_49 = tpu.memref_slice %arg6[%arg0, %add3A_39, %dma_start3A_48] : memref<2x10240x128xf32, #tpu.memory_space<hbm>> -> memref<1x128x128xf32, #tpu.memory_space<hbm>>
      %dma_start3A_50 = tpu.memref_squeeze %dma_start3A_49 : memref<1x128x128xf32, #tpu.memory_space<hbm>> -> memref<128x128xf32, #tpu.memory_space<hbm>>
      %dma_start3A_51 = arith.constant 0 : i32
      %dma_start3A_52 = tpu.memref_slice %arg6[%arg0, %add3A_39, %dma_start3A_51] : memref<2x10240x128xf32, #tpu.memory_space<hbm>> -> memref<1x128x128xf32, #tpu.memory_space<hbm>>
      %dma_start3A_53 = tpu.memref_squeeze %dma_start3A_52 : memref<1x128x128xf32, #tpu.memory_space<hbm>> -> memref<128x128xf32, #tpu.memory_space<hbm>>
      tpu.enqueue_dma source(%arg9 : memref<128x128xf32, #tpu.memory_space<vmem>>) target(%dma_start3A_53 : memref<128x128xf32, #tpu.memory_space<hbm>>) target_semaphore(%run_scoped3A : memref<!tpu.dma_semaphore, #tpu.memory_space<semaphore_mem>>)
      %dma_wait3A = arith.constant 0 : i32
      %dma_wait3A_54 = tpu.memref_slice %arg6[%arg0, %add3A_39, %dma_wait3A] : memref<2x10240x128xf32, #tpu.memory_space<hbm>> -> memref<1x128x128xf32, #tpu.memory_space<hbm>>
      %dma_wait3A_55 = tpu.memref_squeeze %dma_wait3A_54 : memref<1x128x128xf32, #tpu.memory_space<hbm>> -> memref<128x128xf32, #tpu.memory_space<hbm>>
      %dma_wait3A_56 = arith.constant 0 : i32
      %dma_wait3A_57 = tpu.memref_slice %arg6[%arg0, %add3A_39, %dma_wait3A_56] : memref<2x10240x128xf32, #tpu.memory_space<hbm>> -> memref<1x128x128xf32, #tpu.memory_space<hbm>>
      %dma_wait3A_58 = tpu.memref_squeeze %dma_wait3A_57 : memref<1x128x128xf32, #tpu.memory_space<hbm>> -> memref<128x128xf32, #tpu.memory_space<hbm>>
      tpu.wait_dma2 semaphore(%run_scoped3A : memref<!tpu.dma_semaphore, #tpu.memory_space<semaphore_mem>>) src(%arg9 : memref<128x128xf32, #tpu.memory_space<vmem>>) dst(%dma_wait3A_58 : memref<128x128xf32, #tpu.memory_space<hbm>>)
      tpu.yield
    }) : () -> ()
    %add3A_40 = arith.constant 128 : i32
    %add3A_41 = arith.addi %mul3A_2, %add3A_40 : i32
    "tpu.region"() ({
      %run_scoped3A = tpu.sem_alloc : memref<!tpu.dma_semaphore, #tpu.memory_space<semaphore_mem>>
      %dma_start3A_48 = arith.constant 0 : i32
      %dma_start3A_49 = tpu.memref_slice %arg11[%add3A_41, %dma_start3A_48] : memref<10240x128xf32, #tpu.memory_space<vmem_shared>> -> memref<128x128xf32, #tpu.memory_space<vmem_shared>>
      %dma_start3A_50 = arith.constant 0 : i32
      %dma_start3A_51 = tpu.memref_slice %arg11[%add3A_41, %dma_start3A_50] : memref<10240x128xf32, #tpu.memory_space<vmem_shared>> -> memref<128x128xf32, #tpu.memory_space<vmem_shared>>
      tpu.enqueue_dma source(%dma_start3A_51 : memref<128x128xf32, #tpu.memory_space<vmem_shared>>) target(%arg9 : memref<128x128xf32, #tpu.memory_space<vmem>>) target_semaphore(%run_scoped3A : memref<!tpu.dma_semaphore, #tpu.memory_space<semaphore_mem>>)
      %dma_wait3A = arith.constant 0 : i32
      %dma_wait3A_52 = tpu.memref_slice %arg11[%add3A_41, %dma_wait3A] : memref<10240x128xf32, #tpu.memory_space<vmem_shared>> -> memref<128x128xf32, #tpu.memory_space<vmem_shared>>
      %dma_wait3A_53 = arith.constant 0 : i32
      %dma_wait3A_54 = tpu.memref_slice %arg11[%add3A_41, %dma_wait3A_53] : memref<10240x128xf32, #tpu.memory_space<vmem_shared>> -> memref<128x128xf32, #tpu.memory_space<vmem_shared>>
      tpu.wait_dma2 semaphore(%run_scoped3A : memref<!tpu.dma_semaphore, #tpu.memory_space<semaphore_mem>>) src(%dma_wait3A_54 : memref<128x128xf32, #tpu.memory_space<vmem_shared>>) dst(%arg9 : memref<128x128xf32, #tpu.memory_space<vmem>>)
      tpu.yield
    }) : () -> ()
    "tpu.region"() ({
      %run_scoped3A = tpu.sem_alloc : memref<!tpu.dma_semaphore, #tpu.memory_space<semaphore_mem>>
      %dma_start3A_48 = arith.constant 0 : i32
      %dma_start3A_49 = tpu.memref_slice %arg6[%arg0, %add3A_41, %dma_start3A_48] : memref<2x10240x128xf32, #tpu.memory_space<hbm>> -> memref<1x128x128xf32, #tpu.memory_space<hbm>>
      %dma_start3A_50 = tpu.memref_squeeze %dma_start3A_49 : memref<1x128x128xf32, #tpu.memory_space<hbm>> -> memref<128x128xf32, #tpu.memory_space<hbm>>
      %dma_start3A_51 = arith.constant 0 : i32
      %dma_start3A_52 = tpu.memref_slice %arg6[%arg0, %add3A_41, %dma_start3A_51] : memref<2x10240x128xf32, #tpu.memory_space<hbm>> -> memref<1x128x128xf32, #tpu.memory_space<hbm>>
      %dma_start3A_53 = tpu.memref_squeeze %dma_start3A_52 : memref<1x128x128xf32, #tpu.memory_space<hbm>> -> memref<128x128xf32, #tpu.memory_space<hbm>>
      tpu.enqueue_dma source(%arg9 : memref<128x128xf32, #tpu.memory_space<vmem>>) target(%dma_start3A_53 : memref<128x128xf32, #tpu.memory_space<hbm>>) target_semaphore(%run_scoped3A : memref<!tpu.dma_semaphore, #tpu.memory_space<semaphore_mem>>)
      %dma_wait3A = arith.constant 0 : i32
      %dma_wait3A_54 = tpu.memref_slice %arg6[%arg0, %add3A_41, %dma_wait3A] : memref<2x10240x128xf32, #tpu.memory_space<hbm>> -> memref<1x128x128xf32, #tpu.memory_space<hbm>>
      %dma_wait3A_55 = tpu.memref_squeeze %dma_wait3A_54 : memref<1x128x128xf32, #tpu.memory_space<hbm>> -> memref<128x128xf32, #tpu.memory_space<hbm>>
      %dma_wait3A_56 = arith.constant 0 : i32
      %dma_wait3A_57 = tpu.memref_slice %arg6[%arg0, %add3A_41, %dma_wait3A_56] : memref<2x10240x128xf32, #tpu.memory_space<hbm>> -> memref<1x128x128xf32, #tpu.memory_space<hbm>>
      %dma_wait3A_58 = tpu.memref_squeeze %dma_wait3A_57 : memref<1x128x128xf32, #tpu.memory_space<hbm>> -> memref<128x128xf32, #tpu.memory_space<hbm>>
      tpu.wait_dma2 semaphore(%run_scoped3A : memref<!tpu.dma_semaphore, #tpu.memory_space<semaphore_mem>>) src(%arg9 : memref<128x128xf32, #tpu.memory_space<vmem>>) dst(%dma_wait3A_58 : memref<128x128xf32, #tpu.memory_space<hbm>>)
      tpu.yield
    }) : () -> ()
    %add3A_42 = arith.constant 256 : i32
    %add3A_43 = arith.addi %mul3A_2, %add3A_42 : i32
    "tpu.region"() ({
      %run_scoped3A = tpu.sem_alloc : memref<!tpu.dma_semaphore, #tpu.memory_space<semaphore_mem>>
      %dma_start3A_48 = arith.constant 0 : i32
      %dma_start3A_49 = tpu.memref_slice %arg11[%add3A_43, %dma_start3A_48] : memref<10240x128xf32, #tpu.memory_space<vmem_shared>> -> memref<128x128xf32, #tpu.memory_space<vmem_shared>>
      %dma_start3A_50 = arith.constant 0 : i32
      %dma_start3A_51 = tpu.memref_slice %arg11[%add3A_43, %dma_start3A_50] : memref<10240x128xf32, #tpu.memory_space<vmem_shared>> -> memref<128x128xf32, #tpu.memory_space<vmem_shared>>
      tpu.enqueue_dma source(%dma_start3A_51 : memref<128x128xf32, #tpu.memory_space<vmem_shared>>) target(%arg9 : memref<128x128xf32, #tpu.memory_space<vmem>>) target_semaphore(%run_scoped3A : memref<!tpu.dma_semaphore, #tpu.memory_space<semaphore_mem>>)
      %dma_wait3A = arith.constant 0 : i32
      %dma_wait3A_52 = tpu.memref_slice %arg11[%add3A_43, %dma_wait3A] : memref<10240x128xf32, #tpu.memory_space<vmem_shared>> -> memref<128x128xf32, #tpu.memory_space<vmem_shared>>
      %dma_wait3A_53 = arith.constant 0 : i32
      %dma_wait3A_54 = tpu.memref_slice %arg11[%add3A_43, %dma_wait3A_53] : memref<10240x128xf32, #tpu.memory_space<vmem_shared>> -> memref<128x128xf32, #tpu.memory_space<vmem_shared>>
      tpu.wait_dma2 semaphore(%run_scoped3A : memref<!tpu.dma_semaphore, #tpu.memory_space<semaphore_mem>>) src(%dma_wait3A_54 : memref<128x128xf32, #tpu.memory_space<vmem_shared>>) dst(%arg9 : memref<128x128xf32, #tpu.memory_space<vmem>>)
      tpu.yield
    }) : () -> ()
    "tpu.region"() ({
      %run_scoped3A = tpu.sem_alloc : memref<!tpu.dma_semaphore, #tpu.memory_space<semaphore_mem>>
      %dma_start3A_48 = arith.constant 0 : i32
      %dma_start3A_49 = tpu.memref_slice %arg6[%arg0, %add3A_43, %dma_start3A_48] : memref<2x10240x128xf32, #tpu.memory_space<hbm>> -> memref<1x128x128xf32, #tpu.memory_space<hbm>>
      %dma_start3A_50 = tpu.memref_squeeze %dma_start3A_49 : memref<1x128x128xf32, #tpu.memory_space<hbm>> -> memref<128x128xf32, #tpu.memory_space<hbm>>
      %dma_start3A_51 = arith.constant 0 : i32
      %dma_start3A_52 = tpu.memref_slice %arg6[%arg0, %add3A_43, %dma_start3A_51] : memref<2x10240x128xf32, #tpu.memory_space<hbm>> -> memref<1x128x128xf32, #tpu.memory_space<hbm>>
      %dma_start3A_53 = tpu.memref_squeeze %dma_start3A_52 : memref<1x128x128xf32, #tpu.memory_space<hbm>> -> memref<128x128xf32, #tpu.memory_space<hbm>>
      tpu.enqueue_dma source(%arg9 : memref<128x128xf32, #tpu.memory_space<vmem>>) target(%dma_start3A_53 : memref<128x128xf32, #tpu.memory_space<hbm>>) target_semaphore(%run_scoped3A : memref<!tpu.dma_semaphore, #tpu.memory_space<semaphore_mem>>)
      %dma_wait3A = arith.constant 0 : i32
      %dma_wait3A_54 = tpu.memref_slice %arg6[%arg0, %add3A_43, %dma_wait3A] : memref<2x10240x128xf32, #tpu.memory_space<hbm>> -> memref<1x128x128xf32, #tpu.memory_space<hbm>>
      %dma_wait3A_55 = tpu.memref_squeeze %dma_wait3A_54 : memref<1x128x128xf32, #tpu.memory_space<hbm>> -> memref<128x128xf32, #tpu.memory_space<hbm>>
      %dma_wait3A_56 = arith.constant 0 : i32
      %dma_wait3A_57 = tpu.memref_slice %arg6[%arg0, %add3A_43, %dma_wait3A_56] : memref<2x10240x128xf32, #tpu.memory_space<hbm>> -> memref<1x128x128xf32, #tpu.memory_space<hbm>>
      %dma_wait3A_58 = tpu.memref_squeeze %dma_wait3A_57 : memref<1x128x128xf32, #tpu.memory_space<hbm>> -> memref<128x128xf32, #tpu.memory_space<hbm>>
      tpu.wait_dma2 semaphore(%run_scoped3A : memref<!tpu.dma_semaphore, #tpu.memory_space<semaphore_mem>>) src(%arg9 : memref<128x128xf32, #tpu.memory_space<vmem>>) dst(%dma_wait3A_58 : memref<128x128xf32, #tpu.memory_space<hbm>>)
      tpu.yield
    }) : () -> ()
    %add3A_44 = arith.constant 384 : i32
    %add3A_45 = arith.addi %mul3A_2, %add3A_44 : i32
    "tpu.region"() ({
      %run_scoped3A = tpu.sem_alloc : memref<!tpu.dma_semaphore, #tpu.memory_space<semaphore_mem>>
      %dma_start3A_48 = arith.constant 0 : i32
      %dma_start3A_49 = tpu.memref_slice %arg11[%add3A_45, %dma_start3A_48] : memref<10240x128xf32, #tpu.memory_space<vmem_shared>> -> memref<128x128xf32, #tpu.memory_space<vmem_shared>>
      %dma_start3A_50 = arith.constant 0 : i32
      %dma_start3A_51 = tpu.memref_slice %arg11[%add3A_45, %dma_start3A_50] : memref<10240x128xf32, #tpu.memory_space<vmem_shared>> -> memref<128x128xf32, #tpu.memory_space<vmem_shared>>
      tpu.enqueue_dma source(%dma_start3A_51 : memref<128x128xf32, #tpu.memory_space<vmem_shared>>) target(%arg9 : memref<128x128xf32, #tpu.memory_space<vmem>>) target_semaphore(%run_scoped3A : memref<!tpu.dma_semaphore, #tpu.memory_space<semaphore_mem>>)
      %dma_wait3A = arith.constant 0 : i32
      %dma_wait3A_52 = tpu.memref_slice %arg11[%add3A_45, %dma_wait3A] : memref<10240x128xf32, #tpu.memory_space<vmem_shared>> -> memref<128x128xf32, #tpu.memory_space<vmem_shared>>
      %dma_wait3A_53 = arith.constant 0 : i32
      %dma_wait3A_54 = tpu.memref_slice %arg11[%add3A_45, %dma_wait3A_53] : memref<10240x128xf32, #tpu.memory_space<vmem_shared>> -> memref<128x128xf32, #tpu.memory_space<vmem_shared>>
      tpu.wait_dma2 semaphore(%run_scoped3A : memref<!tpu.dma_semaphore, #tpu.memory_space<semaphore_mem>>) src(%dma_wait3A_54 : memref<128x128xf32, #tpu.memory_space<vmem_shared>>) dst(%arg9 : memref<128x128xf32, #tpu.memory_space<vmem>>)
      tpu.yield
    }) : () -> ()
    "tpu.region"() ({
      %run_scoped3A = tpu.sem_alloc : memref<!tpu.dma_semaphore, #tpu.memory_space<semaphore_mem>>
      %dma_start3A_48 = arith.constant 0 : i32
      %dma_start3A_49 = tpu.memref_slice %arg6[%arg0, %add3A_45, %dma_start3A_48] : memref<2x10240x128xf32, #tpu.memory_space<hbm>> -> memref<1x128x128xf32, #tpu.memory_space<hbm>>
      %dma_start3A_50 = tpu.memref_squeeze %dma_start3A_49 : memref<1x128x128xf32, #tpu.memory_space<hbm>> -> memref<128x128xf32, #tpu.memory_space<hbm>>
      %dma_start3A_51 = arith.constant 0 : i32
      %dma_start3A_52 = tpu.memref_slice %arg6[%arg0, %add3A_45, %dma_start3A_51] : memref<2x10240x128xf32, #tpu.memory_space<hbm>> -> memref<1x128x128xf32, #tpu.memory_space<hbm>>
      %dma_start3A_53 = tpu.memref_squeeze %dma_start3A_52 : memref<1x128x128xf32, #tpu.memory_space<hbm>> -> memref<128x128xf32, #tpu.memory_space<hbm>>
      tpu.enqueue_dma source(%arg9 : memref<128x128xf32, #tpu.memory_space<vmem>>) target(%dma_start3A_53 : memref<128x128xf32, #tpu.memory_space<hbm>>) target_semaphore(%run_scoped3A : memref<!tpu.dma_semaphore, #tpu.memory_space<semaphore_mem>>)
      %dma_wait3A = arith.constant 0 : i32
      %dma_wait3A_54 = tpu.memref_slice %arg6[%arg0, %add3A_45, %dma_wait3A] : memref<2x10240x128xf32, #tpu.memory_space<hbm>> -> memref<1x128x128xf32, #tpu.memory_space<hbm>>
      %dma_wait3A_55 = tpu.memref_squeeze %dma_wait3A_54 : memref<1x128x128xf32, #tpu.memory_space<hbm>> -> memref<128x128xf32, #tpu.memory_space<hbm>>
      %dma_wait3A_56 = arith.constant 0 : i32
      %dma_wait3A_57 = tpu.memref_slice %arg6[%arg0, %add3A_45, %dma_wait3A_56] : memref<2x10240x128xf32, #tpu.memory_space<hbm>> -> memref<1x128x128xf32, #tpu.memory_space<hbm>>
      %dma_wait3A_58 = tpu.memref_squeeze %dma_wait3A_57 : memref<1x128x128xf32, #tpu.memory_space<hbm>> -> memref<128x128xf32, #tpu.memory_space<hbm>>
      tpu.wait_dma2 semaphore(%run_scoped3A : memref<!tpu.dma_semaphore, #tpu.memory_space<semaphore_mem>>) src(%arg9 : memref<128x128xf32, #tpu.memory_space<vmem>>) dst(%dma_wait3A_58 : memref<128x128xf32, #tpu.memory_space<hbm>>)
      tpu.yield
    }) : () -> ()
    %add3A_46 = arith.constant 512 : i32
    %add3A_47 = arith.addi %mul3A_2, %add3A_46 : i32
    "tpu.region"() ({
      %run_scoped3A = tpu.sem_alloc : memref<!tpu.dma_semaphore, #tpu.memory_space<semaphore_mem>>
      %dma_start3A_48 = arith.constant 0 : i32
      %dma_start3A_49 = tpu.memref_slice %arg11[%add3A_47, %dma_start3A_48] : memref<10240x128xf32, #tpu.memory_space<vmem_shared>> -> memref<128x128xf32, #tpu.memory_space<vmem_shared>>
      %dma_start3A_50 = arith.constant 0 : i32
      %dma_start3A_51 = tpu.memref_slice %arg11[%add3A_47, %dma_start3A_50] : memref<10240x128xf32, #tpu.memory_space<vmem_shared>> -> memref<128x128xf32, #tpu.memory_space<vmem_shared>>
      tpu.enqueue_dma source(%dma_start3A_51 : memref<128x128xf32, #tpu.memory_space<vmem_shared>>) target(%arg9 : memref<128x128xf32, #tpu.memory_space<vmem>>) target_semaphore(%run_scoped3A : memref<!tpu.dma_semaphore, #tpu.memory_space<semaphore_mem>>)
      %dma_wait3A = arith.constant 0 : i32
      %dma_wait3A_52 = tpu.memref_slice %arg11[%add3A_47, %dma_wait3A] : memref<10240x128xf32, #tpu.memory_space<vmem_shared>> -> memref<128x128xf32, #tpu.memory_space<vmem_shared>>
      %dma_wait3A_53 = arith.constant 0 : i32
      %dma_wait3A_54 = tpu.memref_slice %arg11[%add3A_47, %dma_wait3A_53] : memref<10240x128xf32, #tpu.memory_space<vmem_shared>> -> memref<128x128xf32, #tpu.memory_space<vmem_shared>>
      tpu.wait_dma2 semaphore(%run_scoped3A : memref<!tpu.dma_semaphore, #tpu.memory_space<semaphore_mem>>) src(%dma_wait3A_54 : memref<128x128xf32, #tpu.memory_space<vmem_shared>>) dst(%arg9 : memref<128x128xf32, #tpu.memory_space<vmem>>)
      tpu.yield
    }) : () -> ()
    "tpu.region"() ({
      %run_scoped3A = tpu.sem_alloc : memref<!tpu.dma_semaphore, #tpu.memory_space<semaphore_mem>>
      %dma_start3A_48 = arith.constant 0 : i32
      %dma_start3A_49 = tpu.memref_slice %arg6[%arg0, %add3A_47, %dma_start3A_48] : memref<2x10240x128xf32, #tpu.memory_space<hbm>> -> memref<1x128x128xf32, #tpu.memory_space<hbm>>
      %dma_start3A_50 = tpu.memref_squeeze %dma_start3A_49 : memref<1x128x128xf32, #tpu.memory_space<hbm>> -> memref<128x128xf32, #tpu.memory_space<hbm>>
      %dma_start3A_51 = arith.constant 0 : i32
      %dma_start3A_52 = tpu.memref_slice %arg6[%arg0, %add3A_47, %dma_start3A_51] : memref<2x10240x128xf32, #tpu.memory_space<hbm>> -> memref<1x128x128xf32, #tpu.memory_space<hbm>>
      %dma_start3A_53 = tpu.memref_squeeze %dma_start3A_52 : memref<1x128x128xf32, #tpu.memory_space<hbm>> -> memref<128x128xf32, #tpu.memory_space<hbm>>
      tpu.enqueue_dma source(%arg9 : memref<128x128xf32, #tpu.memory_space<vmem>>) target(%dma_start3A_53 : memref<128x128xf32, #tpu.memory_space<hbm>>) target_semaphore(%run_scoped3A : memref<!tpu.dma_semaphore, #tpu.memory_space<semaphore_mem>>)
      %dma_wait3A = arith.constant 0 : i32
      %dma_wait3A_54 = tpu.memref_slice %arg6[%arg0, %add3A_47, %dma_wait3A] : memref<2x10240x128xf32, #tpu.memory_space<hbm>> -> memref<1x128x128xf32, #tpu.memory_space<hbm>>
      %dma_wait3A_55 = tpu.memref_squeeze %dma_wait3A_54 : memref<1x128x128xf32, #tpu.memory_space<hbm>> -> memref<128x128xf32, #tpu.memory_space<hbm>>
      %dma_wait3A_56 = arith.constant 0 : i32
      %dma_wait3A_57 = tpu.memref_slice %arg6[%arg0, %add3A_47, %dma_wait3A_56] : memref<2x10240x128xf32, #tpu.memory_space<hbm>> -> memref<1x128x128xf32, #tpu.memory_space<hbm>>
      %dma_wait3A_58 = tpu.memref_squeeze %dma_wait3A_57 : memref<1x128x128xf32, #tpu.memory_space<hbm>> -> memref<128x128xf32, #tpu.memory_space<hbm>>
      tpu.wait_dma2 semaphore(%run_scoped3A : memref<!tpu.dma_semaphore, #tpu.memory_space<semaphore_mem>>) src(%arg9 : memref<128x128xf32, #tpu.memory_space<vmem>>) dst(%dma_wait3A_58 : memref<128x128xf32, #tpu.memory_space<hbm>>)
      tpu.yield
    }) : () -> ()
    return
  }
}

module attributes {stable_mosaic.version = 14 : i64} {
  func.func @_combine_body(%arg0: i32, %arg1: memref<2x2000x128xf32, #tpu.memory_space<vmem>>, %arg2: memref<2000x128xf32, #tpu.memory_space<vmem>>) attributes {dimension_semantics = [#tpu.dimension_semantics<arbitrary>], iteration_bounds = array<i64: 5>, scalar_prefetch = 0 : i64, scratch_operands = 0 : i64, tpu.core_type = #tpu.core_type<tc>, window_params = [{transform_indices = @transform_0, window_bounds = array<i64: 2, 2000, 128>}, {transform_indices = @transform_1, window_bounds = array<i64: 2000, 128>}]} {
    %get3A = arith.constant 0 : index
    %get3A_0 = arith.constant 0 : index
    %get3A_1 = arith.constant 0 : index
    %get3A_2 = vector.load %arg1[%get3A, %get3A_0, %get3A_1] : memref<2x2000x128xf32, #tpu.memory_space<vmem>>, vector<1x2000x128xf32>
    %get3A_3 = vector.shape_cast %get3A_2 : vector<1x2000x128xf32> to vector<2000x128xf32>
    %get3A_4 = arith.constant 1 : index
    %get3A_5 = arith.constant 0 : index
    %get3A_6 = arith.constant 0 : index
    %get3A_7 = vector.load %arg1[%get3A_4, %get3A_5, %get3A_6] : memref<2x2000x128xf32, #tpu.memory_space<vmem>>, vector<1x2000x128xf32>
    %get3A_8 = vector.shape_cast %get3A_7 : vector<1x2000x128xf32> to vector<2000x128xf32>
    %add3A = arith.addf %get3A_3, %get3A_8 : vector<2000x128xf32>
    %swap3A = arith.constant 0 : index
    %swap3A_9 = arith.constant 0 : index
    %swap3A_10 = vector.load %arg2[%swap3A, %swap3A_9] : memref<2000x128xf32, #tpu.memory_space<vmem>>, vector<2000x128xf32>
    tpu.vector_store %arg2[%swap3A, %swap3A_9], %add3A {strides = array<i32>} : memref<2000x128xf32, #tpu.memory_space<vmem>>, vector<2000x128xf32>,
    return
  }
  func.func @transform_0(%arg0: i32) -> (i32, i32, i32) {
    %c0_i32 = arith.constant 0 : i32
    %c0_i32_0 = arith.constant 0 : i32
    %c0_i32_1 = arith.constant 0 : i32
    return %c0_i32, %arg0, %c0_i32_0 : i32, i32, i32
  }
  func.func @transform_1(%arg0: i32) -> (i32, i32) {
    %c0_i32 = arith.constant 0 : i32
    %c0_i32_0 = arith.constant 0 : i32
    return %arg0, %c0_i32 : i32, i32
  }
}

module attributes {stable_mosaic.version = 14 : i64} {
  func.func @_head_body(%arg0: i32, %arg1: memref<2000x128xf32, #tpu.memory_space<vmem>>, %arg2: memref<2000x128xf32, #tpu.memory_space<vmem>>, %arg3: memref<2x2000x128xf32, #tpu.memory_space<vmem>>, %arg4: memref<128x128xf32, #tpu.memory_space<vmem>>, %arg5: memref<1x128xf32, #tpu.memory_space<vmem>>, %arg6: memref<128x128xf32, #tpu.memory_space<vmem>>, %arg7: memref<1x128xf32, #tpu.memory_space<vmem>>, %arg8: memref<128x128xf32, #tpu.memory_space<vmem>>, %arg9: memref<1x128xf32, #tpu.memory_space<vmem>>, %arg10: memref<384x40xf32, #tpu.memory_space<vmem>>, %arg11: memref<1x40xf32, #tpu.memory_space<vmem>>, %arg12: memref<2000x384xf32, #tpu.memory_space<vmem>>, %arg13: memref<2000x40xf32, #tpu.memory_space<vmem>>) attributes {dimension_semantics = [#tpu.dimension_semantics<arbitrary>], iteration_bounds = array<i64: 5>, scalar_prefetch = 0 : i64, scratch_operands = 0 : i64, tpu.core_type = #tpu.core_type<tc>, window_params = [{transform_indices = @transform_0, window_bounds = array<i64: 2000, 128>}, {transform_indices = @transform_1, window_bounds = array<i64: 2000, 128>}, {transform_indices = @transform_2, window_bounds = array<i64: 2, 2000, 128>}, {pipeline_mode = #tpu.pipeline_mode<synchronous>, transform_indices = @transform_3, window_bounds = array<i64: 128, 128>}, {pipeline_mode = #tpu.pipeline_mode<synchronous>, transform_indices = @transform_4, window_bounds = array<i64: 1, 128>}, {pipeline_mode = #tpu.pipeline_mode<synchronous>, transform_indices = @transform_5, window_bounds = array<i64: 128, 128>}, {pipeline_mode = #tpu.pipeline_mode<synchronous>, transform_indices = @transform_6, window_bounds = array<i64: 1, 128>}, {pipeline_mode = #tpu.pipeline_mode<synchronous>, transform_indices = @transform_7, window_bounds = array<i64: 128, 128>}, {pipeline_mode = #tpu.pipeline_mode<synchronous>, transform_indices = @transform_8, window_bounds = array<i64: 1, 128>}, {pipeline_mode = #tpu.pipeline_mode<synchronous>, transform_indices = @transform_9, window_bounds = array<i64: 384, 40>}, {pipeline_mode = #tpu.pipeline_mode<synchronous>, transform_indices = @transform_10, window_bounds = array<i64: 1, 40>}, {transform_indices = @transform_11, window_bounds = array<i64: 2000, 384>}, {transform_indices = @transform_12, window_bounds = array<i64: 2000, 40>}]} {
    %get3A = arith.constant 0 : index
    %get3A_0 = arith.constant 0 : index
    %get3A_1 = arith.constant 0 : index
    %get3A_2 = vector.load %arg3[%get3A, %get3A_0, %get3A_1] : memref<2x2000x128xf32, #tpu.memory_space<vmem>>, vector<1x2000x128xf32>
    %get3A_3 = vector.shape_cast %get3A_2 : vector<1x2000x128xf32> to vector<2000x128xf32>
    %get3A_4 = arith.constant 1 : index
    %get3A_5 = arith.constant 0 : index
    %get3A_6 = arith.constant 0 : index
    %get3A_7 = vector.load %arg3[%get3A_4, %get3A_5, %get3A_6] : memref<2x2000x128xf32, #tpu.memory_space<vmem>>, vector<1x2000x128xf32>
    %get3A_8 = vector.shape_cast %get3A_7 : vector<1x2000x128xf32> to vector<2000x128xf32>
    %add3A = arith.addf %get3A_3, %get3A_8 : vector<2000x128xf32>
    %get3A_9 = arith.constant 0 : index
    %get3A_10 = arith.constant 0 : index
    %get3A_11 = vector.load %arg1[%get3A_9, %get3A_10] : memref<2000x128xf32, #tpu.memory_space<vmem>>, vector<2000x128xf32>
    %get3A_12 = arith.constant 0 : index
    %get3A_13 = arith.constant 0 : index
    %get3A_14 = vector.load %arg4[%get3A_12, %get3A_13] : memref<128x128xf32, #tpu.memory_space<vmem>>, vector<128x128xf32>
    %dot_general3A = arith.constant dense<0.000000e+00> : vector<2000x128xf32>
    %dot_general3A_15 = tpu.matmul %get3A_11, %get3A_14, %dot_general3A {dimension_numbers = #tpu.dot_dimension_numbers<[1], [0], [0], [1], [0, 0, 1, 1], [], []>, transpose_lhs_hint = false} : vector<2000x128xf32>, vector<128x128xf32>, vector<2000x128xf32> -> vector<2000x128xf32>
    %get3A_16 = arith.constant 0 : index
    %get3A_17 = arith.constant 0 : index
    %get3A_18 = vector.load %arg5[%get3A_16, %get3A_17] : memref<1x128xf32, #tpu.memory_space<vmem>>, vector<1x128xf32>
    %add3A_19 = vector.broadcast %get3A_18 : vector<1x128xf32> to vector<2000x128xf32>
    %add3A_20 = arith.addf %dot_general3A_15, %add3A_19 : vector<2000x128xf32>
    %max3A = arith.constant 0.000000e+00 : f32
    %max3A_21 = vector.broadcast %max3A : f32 to vector<2000x128xf32>
    %max3A_22 = arith.maximumf %add3A_20, %max3A_21 : vector<2000x128xf32>
    %get3A_23 = arith.constant 0 : index
    %get3A_24 = arith.constant 0 : index
    %get3A_25 = vector.load %arg2[%get3A_23, %get3A_24] : memref<2000x128xf32, #tpu.memory_space<vmem>>, vector<2000x128xf32>
    %get3A_26 = arith.constant 0 : index
    %get3A_27 = arith.constant 0 : index
    %get3A_28 = vector.load %arg6[%get3A_26, %get3A_27] : memref<128x128xf32, #tpu.memory_space<vmem>>, vector<128x128xf32>
    %dot_general3A_29 = arith.constant dense<0.000000e+00> : vector<2000x128xf32>
    %dot_general3A_30 = tpu.matmul %get3A_25, %get3A_28, %dot_general3A_29 {dimension_numbers = #tpu.dot_dimension_numbers<[1], [0], [0], [1], [0, 0, 1, 1], [], []>, transpose_lhs_hint = false} : vector<2000x128xf32>, vector<128x128xf32>, vector<2000x128xf32> -> vector<2000x128xf32>
    %get3A_31 = arith.constant 0 : index
    %get3A_32 = arith.constant 0 : index
    %get3A_33 = vector.load %arg7[%get3A_31, %get3A_32] : memref<1x128xf32, #tpu.memory_space<vmem>>, vector<1x128xf32>
    %add3A_34 = vector.broadcast %get3A_33 : vector<1x128xf32> to vector<2000x128xf32>
    %add3A_35 = arith.addf %dot_general3A_30, %add3A_34 : vector<2000x128xf32>
    %max3A_36 = arith.constant 0.000000e+00 : f32
    %max3A_37 = vector.broadcast %max3A_36 : f32 to vector<2000x128xf32>
    %max3A_38 = arith.maximumf %add3A_35, %max3A_37 : vector<2000x128xf32>
    %get3A_39 = arith.constant 0 : index
    %get3A_40 = arith.constant 0 : index
    %get3A_41 = vector.load %arg8[%get3A_39, %get3A_40] : memref<128x128xf32, #tpu.memory_space<vmem>>, vector<128x128xf32>
    %dot_general3A_42 = arith.constant dense<0.000000e+00> : vector<2000x128xf32>
    %dot_general3A_43 = tpu.matmul %add3A, %get3A_41, %dot_general3A_42 {dimension_numbers = #tpu.dot_dimension_numbers<[1], [0], [0], [1], [0, 0, 1, 1], [], []>, transpose_lhs_hint = false} : vector<2000x128xf32>, vector<128x128xf32>, vector<2000x128xf32> -> vector<2000x128xf32>
    %get3A_44 = arith.constant 0 : index
    %get3A_45 = arith.constant 0 : index
    %get3A_46 = vector.load %arg9[%get3A_44, %get3A_45] : memref<1x128xf32, #tpu.memory_space<vmem>>, vector<1x128xf32>
    %add3A_47 = vector.broadcast %get3A_46 : vector<1x128xf32> to vector<2000x128xf32>
    %add3A_48 = arith.addf %dot_general3A_43, %add3A_47 : vector<2000x128xf32>
    %max3A_49 = arith.constant 0.000000e+00 : f32
    %max3A_50 = vector.broadcast %max3A_49 : f32 to vector<2000x128xf32>
    %max3A_51 = arith.maximumf %add3A_48, %max3A_50 : vector<2000x128xf32>
    %swap3A = arith.constant 0 : index
    %swap3A_52 = arith.constant 0 : index
    %swap3A_53 = vector.load %arg12[%swap3A, %swap3A_52] : memref<2000x384xf32, #tpu.memory_space<vmem>>, vector<2000x128xf32>
    tpu.vector_store %arg12[%swap3A, %swap3A_52], %max3A_22 {strides = array<i32>} : memref<2000x384xf32, #tpu.memory_space<vmem>>, vector<2000x128xf32>,
    %swap3A_54 = arith.constant 0 : index
    %swap3A_55 = arith.constant 128 : index
    %swap3A_56 = vector.load %arg12[%swap3A_54, %swap3A_55] : memref<2000x384xf32, #tpu.memory_space<vmem>>, vector<2000x128xf32>
    tpu.vector_store %arg12[%swap3A_54, %swap3A_55], %max3A_38 {strides = array<i32>} : memref<2000x384xf32, #tpu.memory_space<vmem>>, vector<2000x128xf32>,
    %swap3A_57 = arith.constant 0 : index
    %swap3A_58 = arith.constant 256 : index
    %swap3A_59 = vector.load %arg12[%swap3A_57, %swap3A_58] : memref<2000x384xf32, #tpu.memory_space<vmem>>, vector<2000x128xf32>
    tpu.vector_store %arg12[%swap3A_57, %swap3A_58], %max3A_51 {strides = array<i32>} : memref<2000x384xf32, #tpu.memory_space<vmem>>, vector<2000x128xf32>,
    %get3A_60 = arith.constant 0 : index
    %get3A_61 = arith.constant 0 : index
    %get3A_62 = vector.load %arg10[%get3A_60, %get3A_61] : memref<384x40xf32, #tpu.memory_space<vmem>>, vector<128x40xf32>
    %dot_general3A_63 = arith.constant dense<0.000000e+00> : vector<2000x40xf32>
    %dot_general3A_64 = tpu.matmul %max3A_22, %get3A_62, %dot_general3A_63 {dimension_numbers = #tpu.dot_dimension_numbers<[1], [0], [0], [1], [0, 0, 1, 1], [], []>, transpose_lhs_hint = false} : vector<2000x128xf32>, vector<128x40xf32>, vector<2000x40xf32> -> vector<2000x40xf32>
    %get3A_65 = arith.constant 128 : index
    %get3A_66 = arith.constant 0 : index
    %get3A_67 = vector.load %arg10[%get3A_65, %get3A_66] : memref<384x40xf32, #tpu.memory_space<vmem>>, vector<128x40xf32>
    %dot_general3A_68 = arith.constant dense<0.000000e+00> : vector<2000x40xf32>
    %dot_general3A_69 = tpu.matmul %max3A_38, %get3A_67, %dot_general3A_68 {dimension_numbers = #tpu.dot_dimension_numbers<[1], [0], [0], [1], [0, 0, 1, 1], [], []>, transpose_lhs_hint = false} : vector<2000x128xf32>, vector<128x40xf32>, vector<2000x40xf32> -> vector<2000x40xf32>
    %add3A_70 = arith.addf %dot_general3A_64, %dot_general3A_69 : vector<2000x40xf32>
    %get3A_71 = arith.constant 256 : index
    %get3A_72 = arith.constant 0 : index
    %get3A_73 = vector.load %arg10[%get3A_71, %get3A_72] : memref<384x40xf32, #tpu.memory_space<vmem>>, vector<128x40xf32>
    %dot_general3A_74 = arith.constant dense<0.000000e+00> : vector<2000x40xf32>
    %dot_general3A_75 = tpu.matmul %max3A_51, %get3A_73, %dot_general3A_74 {dimension_numbers = #tpu.dot_dimension_numbers<[1], [0], [0], [1], [0, 0, 1, 1], [], []>, transpose_lhs_hint = false} : vector<2000x128xf32>, vector<128x40xf32>, vector<2000x40xf32> -> vector<2000x40xf32>
    %add3A_76 = arith.addf %add3A_70, %dot_general3A_75 : vector<2000x40xf32>
    %get3A_77 = arith.constant 0 : index
    %get3A_78 = arith.constant 0 : index
    %get3A_79 = vector.load %arg11[%get3A_77, %get3A_78] : memref<1x40xf32, #tpu.memory_space<vmem>>, vector<1x40xf32>
    %add3A_80 = vector.broadcast %get3A_79 : vector<1x40xf32> to vector<2000x40xf32>
    %add3A_81 = arith.addf %add3A_76, %add3A_80 : vector<2000x40xf32>
    %reduce_max3A = arith.constant dense<0xFF800000> : vector<2000xf32>
    %reduce_max3A_82 = vector.multi_reduction <maximumf>, %add3A_81, %reduce_max3A [1] : vector<2000x40xf32> to vector<2000xf32>
    %broadcast_in_dim3A = vector.shape_cast %reduce_max3A_82 : vector<2000xf32> to vector<2000x1xf32>
    %sub3A = vector.broadcast %broadcast_in_dim3A : vector<2000x1xf32> to vector<2000x40xf32>
    %sub3A_83 = arith.subf %add3A_81, %sub3A : vector<2000x40xf32>
    %exp3A = math.exp %sub3A_83 : vector<2000x40xf32>
    %reduce_sum3A = arith.constant dense<0.000000e+00> : vector<2000xf32>
    %reduce_sum3A_84 = vector.multi_reduction <add>, %exp3A, %reduce_sum3A [1] : vector<2000x40xf32> to vector<2000xf32>
    %broadcast_in_dim3A_85 = vector.shape_cast %reduce_sum3A_84 : vector<2000xf32> to vector<2000x1xf32>
    %div3A = vector.broadcast %broadcast_in_dim3A_85 : vector<2000x1xf32> to vector<2000x40xf32>
    %div3A_86 = arith.divf %exp3A, %div3A : vector<2000x40xf32>
    %swap3A_87 = arith.constant 0 : index
    %swap3A_88 = arith.constant 0 : index
    %swap3A_89 = vector.load %arg13[%swap3A_87, %swap3A_88] : memref<2000x40xf32, #tpu.memory_space<vmem>>, vector<2000x40xf32>
    tpu.vector_store %arg13[%swap3A_87, %swap3A_88], %div3A_86 {strides = array<i32>} : memref<2000x40xf32, #tpu.memory_space<vmem>>, vector<2000x40xf32>,
    return
  }
  func.func @transform_0(%arg0: i32) -> (i32, i32) {
    %c0_i32 = arith.constant 0 : i32
    %c0_i32_0 = arith.constant 0 : i32
    return %arg0, %c0_i32 : i32, i32
  }
  func.func @transform_1(%arg0: i32) -> (i32, i32) {
    %c0_i32 = arith.constant 0 : i32
    %c0_i32_0 = arith.constant 0 : i32
    return %arg0, %c0_i32 : i32, i32
  }
  func.func @transform_2(%arg0: i32) -> (i32, i32, i32) {
    %c0_i32 = arith.constant 0 : i32
    %c0_i32_0 = arith.constant 0 : i32
    %c0_i32_1 = arith.constant 0 : i32
    return %c0_i32, %arg0, %c0_i32_0 : i32, i32, i32
  }
  func.func @transform_3(%arg0: i32) -> (i32, i32) {
    %c0_i32 = arith.constant 0 : i32
    %c0_i32_0 = arith.constant 0 : i32
    %c0_i32_1 = arith.constant 0 : i32
    return %c0_i32, %c0_i32_0 : i32, i32
  }
  func.func @transform_4(%arg0: i32) -> (i32, i32) {
    %c0_i32 = arith.constant 0 : i32
    %c0_i32_0 = arith.constant 0 : i32
    %c0_i32_1 = arith.constant 0 : i32
    return %c0_i32, %c0_i32_0 : i32, i32
  }
  func.func @transform_5(%arg0: i32) -> (i32, i32) {
    %c0_i32 = arith.constant 0 : i32
    %c0_i32_0 = arith.constant 0 : i32
    %c0_i32_1 = arith.constant 0 : i32
    return %c0_i32, %c0_i32_0 : i32, i32
  }
  func.func @transform_6(%arg0: i32) -> (i32, i32) {
    %c0_i32 = arith.constant 0 : i32
    %c0_i32_0 = arith.constant 0 : i32
    %c0_i32_1 = arith.constant 0 : i32
    return %c0_i32, %c0_i32_0 : i32, i32
  }
  func.func @transform_7(%arg0: i32) -> (i32, i32) {
    %c0_i32 = arith.constant 0 : i32
    %c0_i32_0 = arith.constant 0 : i32
    %c0_i32_1 = arith.constant 0 : i32
    return %c0_i32, %c0_i32_0 : i32, i32
  }
  func.func @transform_8(%arg0: i32) -> (i32, i32) {
    %c0_i32 = arith.constant 0 : i32
    %c0_i32_0 = arith.constant 0 : i32
    %c0_i32_1 = arith.constant 0 : i32
    return %c0_i32, %c0_i32_0 : i32, i32
  }
  func.func @transform_9(%arg0: i32) -> (i32, i32) {
    %c0_i32 = arith.constant 0 : i32
    %c0_i32_0 = arith.constant 0 : i32
    %c0_i32_1 = arith.constant 0 : i32
    return %c0_i32, %c0_i32_0 : i32, i32
  }
  func.func @transform_10(%arg0: i32) -> (i32, i32) {
    %c0_i32 = arith.constant 0 : i32
    %c0_i32_0 = arith.constant 0 : i32
    %c0_i32_1 = arith.constant 0 : i32
    return %c0_i32, %c0_i32_0 : i32, i32
  }
  func.func @transform_11(%arg0: i32) -> (i32, i32) {
    %c0_i32 = arith.constant 0 : i32
    %c0_i32_0 = arith.constant 0 : i32
    return %arg0, %c0_i32 : i32, i32
  }
  func.func @transform_12(%arg0: i32) -> (i32, i32) {
    %c0_i32 = arith.constant 0 : i32
    %c0_i32_0 = arith.constant 0 : i32
    return %arg0, %c0_i32 : i32, i32
  }
}

</mosaic_0001>

<sc_bundles>
// kernel: kernel.6.cloned.1.call-start
scs
__scs_entry_jumppad:
0x0: {  	(pc) =	sbr.rel $0x88, $3  }
0x1: {  	(tag) =	ssettag $0x0;
	lr =	simm.s32 $0x1  }
0x2: {  	[smem:$0x3F97] =	sst lr;
	_ =	strace $0xD0000000  }
0x3: {  	_ = 	snop  }
0x4: {  	_ = 	snop  }
0x5: {  	_ = 	snop  }
0x6: {  	_ = 	snop  }
0x7: {  	_ = 	snop  }
__scs_overlays_trampoline_lowered:
0x8: {  	[smem:$0x3FA6] =	sst s0  }
0x9: {  	[smem:$0x3FA7] =	sst s1  }
0xa: {  	[smem:$0x3FA8] =	sst s2  }
0xb: {  	[smem:$0x3FA9] =	sst s3  }
0xc: {  	[smem:$0x3FAA] =	sst s4  }
0xd: {  	[smem:$0x3FAB] =	sst s5  }
0xe: {  	[smem:$0x3FAC] =	sst s6  }
0xf: {  	[smem:$0x3FAD] =	sst s7  }
0x10: {  	[smem:$0x3FAE] =	sst s8  }
0x11: {  	[smem:$0x3FAF] =	sst s9;
	s0 =	simm.s32 @!p0 $0x0  }
0x12: {  	s1 =	sld [smem:$0x3F95];
	s0 =	simm.s32 @p0 $0x1  }
0x13: {  	[smem:$0x3FB0] =	sst s0;
	s0 =	simm.s32 @!p1 $0x0  }
0x14: {  	s2 =	sld [smem:$0x3F94];
	s0 =	simm.s32 @p1 $0x1  }
0x15: {  	[smem:$0x3FB1] =	sst s0;
	s0 =	simm.s32 @!p2 $0x0  }
0x16: {  	s3 =	sld [smem:$0x3FDB];
	s0 =	simm.s32 @p2 $0x1  }
0x17: {  	s4 =	simm.s32 $0x1BF5;
	[smem:$0x3FB3] =	sst s0  }
0x18: {  	s0 =	sld [smem:$0x3F96];
	_ =	swait.ge [sflag:s4], $0x0  }
0x19: {  	s7 =	sld [smem:$0x3F97]  }
0x1a: {  	s8 =	sadd.s32 $0xFFFFE003, lr  }
0x1b: {  	s9 =	sadd.s32 $0xFFFFFEF7, lr;
	s5 =	simm.s32 $0xFFFFFFFF;
	p2 =	slt.u32 s8, $0xFFFFF086  }
0x1c: {  	p1 =	slt.u32 s9, $0xF7A;
	s5 =	simm.s32 @!p2 $0x0  }
0x1d: {  	s5 =	simm.s32 @p1 $0x1;
	p0 =	seq.s32 s7, s2  }
0x1e: {  	s7 =	smul.u32 @!p0 $0xF7A, s2;
	p2 =	seq.s32 @!p0 s5, $0x0  }
0x1f: {  	s9 =	smul.u32 $0xF7A, s1;
	s8 =	simm.s32 @!p0 $0x1BF5;
	p2 =	por !p2, p0  }
0x20: {  	[sflag:s8] =	ssyncset.s32 @!p0 $0xFFFFF086;
	s6 =	sadd.s32 @!p0 s3, s7;
	s7 =	simm.s32 @!p0 $0x108  }
0x21: {  	s3 =	sadd.s32 s3, s9;
	s6 =	sadd.s32 @!p0 $0x88, s6;
	s7 =	simm.s32 @p2 $0x1082  }
0x22: {  	[simem:s7], [sflag:s8] =	dma.local @!p0 [hbm:s6], $0xF7A  }
0x23: {  	s9 =	sor.u32 $0xD0000000, s2;
	s6 =	simm.s32 $0x108;
	_ =	swait.ge @!p0 [sflag:s8], $0x0  }
0x24: {  	s3 =	sadd.s32 $0x88, s3;
	s6 =	simm.s32 @!p1 $0x1082;
	[sflag:s4] =	ssyncset.s32 $0xFFFFF086  }
0x25: {  	[simem:s6], [sflag:s4] =	dma.local [hbm:s3], $0xF7A  }
0x26: {  	[smem:$0x3F97] =	sst s1;
	(tag) =	ssettag s2;
	_ =	strace s9  }
0x27: {  	s1 =	sld [smem:$0x3FA7]  }
0x28: {  	s2 =	sld [smem:$0x3FA8]  }
0x29: {  	s4 =	sld [smem:$0x3FAA]  }
0x2a: {  	p0 =	seq.s32 s5, $0x0;
	s5 =	sld [smem:$0x3FAB]  }
0x2b: {  	s6 =	sld [smem:$0x3FAC]  }
0x2c: {  	s7 =	sld [smem:$0x3FAD]  }
0x2d: {  	s3 =	simm.s32 $0x108;
	s8 =	sld [smem:$0x3FAE]  }
0x2e: {  	s3 =	simm.s32 @!p0 $0x1082;
	s9 =	sld [smem:$0x3FAF]  }
0x2f: {  	lr =	sadd.s32 s0, s3;
	s0 =	sld [smem:$0x3FA6]  }
0x30: {  	s3 =	sld [smem:$0x3FA9]  }
0x31: {  	[smem:$0x3FB2] =	sst s10  }
0x32: {  	s10 =	sld [smem:$0x3FB0];
	_ =	sdelay $0x3  }
0x33: {  	p0 =	seq.s32 s10, $0x1;
	s10 =	sld [smem:$0x3FB2];
	_ =	sdelay $0x3  }
0x34: {  	[smem:$0x3FB2] =	sst s10  }
0x35: {  	s10 =	sld [smem:$0x3FB1];
	_ =	sdelay $0x3  }
0x36: {  	p1 =	seq.s32 s10, $0x1;
	s10 =	sld [smem:$0x3FB2];
	_ =	sdelay $0x3  }
0x37: {  	[smem:$0x3FB2] =	sst s10  }
0x38: {  	s10 =	sld [smem:$0x3FB3]  }
0x39: {  	_ = 	snop;
	(pc) =	sbr.ind lr, $3  }
0x3a: {  	_ = 	snop  }
0x3b: {  	_ = 	snop  }
0x3c: {  	p2 =	seq.s32 s10, $0x1;
	s10 =	sld [smem:$0x3FB2]  }
0x3d: {  	_ =	shalt  }
0x3e: {  	_ =	shalt  }
0x3f: {  	_ =	shalt  }
0x40: {  	_ =	shalt  }
0x41: {  	_ =	shalt  }
0x42: {  	_ =	shalt  }
0x43: {  	_ =	shalt  }
0x44: {  	_ =	shalt  }
0x45: {  	_ =	shalt  }
0x46: {  	_ =	shalt  }
0x47: {  	_ =	shalt  }
0x48: {  	_ =	shalt  }
0x49: {  	_ =	shalt  }
0x4a: {  	_ =	shalt  }
0x4b: {  	_ =	shalt  }
0x4c: {  	_ =	shalt  }
0x4d: {  	_ =	shalt  }
0x4e: {  	_ =	shalt  }
0x4f: {  	_ =	shalt  }
0x50: {  	_ =	shalt  }
0x51: {  	_ =	shalt  }
0x52: {  	_ =	shalt  }
0x53: {  	_ =	shalt  }
0x54: {  	_ =	shalt  }
0x55: {  	_ =	shalt  }
0x56: {  	_ =	shalt  }
0x57: {  	_ =	shalt  }
0x58: {  	_ =	shalt  }
0x59: {  	_ =	shalt  }
0x5a: {  	_ =	shalt  }
0x5b: {  	_ =	shalt  }
0x5c: {  	_ =	shalt  }
0x5d: {  	_ =	shalt  }
0x5e: {  	_ =	shalt  }
0x5f: {  	_ =	shalt  }
0x60: {  	_ =	shalt  }
0x61: {  	_ =	shalt  }
0x62: {  	_ =	shalt  }
0x63: {  	_ =	shalt  }
0x64: {  	_ =	shalt  }
0x65: {  	_ =	shalt  }
0x66: {  	_ =	shalt  }
0x67: {  	_ =	shalt  }
0x68: {  	_ =	shalt  }
0x69: {  	_ =	shalt  }
0x6a: {  	_ =	shalt  }
0x6b: {  	_ =	shalt  }
0x6c: {  	_ =	shalt  }
0x6d: {  	_ =	shalt  }
0x6e: {  	_ =	shalt  }
0x6f: {  	_ =	shalt  }
0x70: {  	_ =	shalt  }
0x71: {  	_ =	shalt  }
0x72: {  	_ =	shalt  }
0x73: {  	_ =	shalt  }
0x74: {  	_ =	shalt  }
0x75: {  	_ =	shalt  }
0x76: {  	_ =	shalt  }
0x77: {  	_ =	shalt  }
0x78: {  	_ =	shalt  }
0x79: {  	_ =	shalt  }
0x7a: {  	_ =	shalt  }
0x7b: {  	_ =	shalt  }
0x7c: {  	_ =	shalt  }
0x7d: {  	_ =	shalt  }
0x7e: {  	_ =	shalt  }
0x7f: {  	_ =	shalt  }
0x80: {  	_ =	shalt  }
0x81: {  	_ =	shalt  }
0x82: {  	_ =	shalt  }
0x83: {  	_ =	shalt  }
0x84: {  	_ =	shalt  }
0x85: {  	_ =	shalt  }
0x86: {  	_ =	shalt  }
0x87: {  	_ =	shalt  }
.Lfunc_end0:
.L_simem_size_0:
called_computation_lowered:
.L_overlay_start_0:
0x88: {  	s2 =	sld [smem:$0x3FD9]  }
0x89: {  	s3 =	sld [smem:$0x3FFE];
	_ =	sdelay $0x1  }
0x8a: {  	s1 =	srdreg.scid  }
0x8b: {  	s0 =	sand.u32 $0x1, s1  }
0x8c: {  	s14 =	sshll.u32 s0, $0xA;
	s2 =	sadd.s32 s3, s2  }
0x8d: {  	s2 =	sadd.s32 s2, s14  }
0x8e: {  	[smem:$0x3FBE] =	sst s2  }
0x8f: {  	_ = 	snop  }
0x90: {  	s2 =	sld [smem:$0x3FD0];
	_ =	sdelay $0x2  }
0x91: {  	s4 =	simm.s32 $0xA;
	s5 =	simm.s32 $0x10;
	s15 =	sld [smem:$0x3FC8]  }
0x92: {  	[smem:s5], [sflag:s4] =	dma.local [hbm:s2], $0x1  }
0x93: {  	_ =	swait.eq [sflag:s4], $0x1  }
0x94: {  	[sflag:s4] =	ssyncset.done $0x0  }
0x95: {  	s16 =	sld [smem:$0x10];
	[sflag:s4] =	ssyncadd.s32 $0xFFFFFFFF  }
0x96: {  	s17 =	sld [smem:$0x11];
	(tm) =	ssettm $0x1  }
0x97: {  	s18 =	sld [smem:$0x3FFB];
	_ =	sdelay $0x3  }
0x98: {  	_ =	strace s18  }
0x99: {  	s5 =	sld [smem:$0x3FFC];
	_ =	sdelay $0x3  }
0x9a: {  	_ =	strace s5  }
0x9b: {  	s5 =	sld [smem:$0x3FFD];
	_ =	sdelay $0x3  }
0x9c: {  	_ =	strace s5  }
0x9d: {  	_ =	strace $0x8FFFFFFF  }
0x9e: {  	s19 =	sld [smem:$0x3FDB];
	_ =	sdelay $0x1  }
0x9f: {  	s6 =	simm.s32 $_scs_section_size  }
0xa0: {  	s7 =	simm.s32 $_size__tile_overlayer_lowered;
	s8 =	simm.s32 $_tile_overlayer_lowered  }
0xa1: {  	s22 =	simm.s32 $0x1BFF;
	s21 =	sshll.u32 s8, $0x1;
	s5 =	sadd.s32 s6, s19  }
0xa2: {  	s9 =	simm.s32 $0x0;
	s20 =	sshll.u32 s7, $0x1;
	s7 =	sadd.s32 s21, s5  }
0xa3: {  	[timem:s9], [sflag:s22] =	dma.local [hbm:s7], s20  }
0xa4: {  	_ =	swait.ge [sflag:s22], s20  }
0xa5: {  	s6 =	ssub.s32 $0x0, s20;
	[sflag:s22] =	ssyncset.done $0x0  }
0xa6: {  	[sflag:s22] =	ssyncadd.s32 s6;
	_ =	sdelay $0x1  }
0xa7: {  	s23 =	simm.s32 $0x1B8B  }
0xa8: {  	_ =	swait.ge [sflag:s23], $0x1  }
0xa9: {  	[sflag:s23] =	ssyncset.done $0x0  }
0xaa: {  	s25 =	simm.s32 $0x1B8E;
	s24 =	sld [smem:$0x3FFE];
	[sflag:s23] =	ssyncadd.s32 $0xFFFFFFFF  }
0xab: {  	s26 =	simm.s32 $execute0_lowered;
	[smem:$0x3FD2] =	sst s25  }
0xac: {  	s7 =	sshll.u32 s26, $0x1;
	_ =	strace $0x80000046;
	[dreg:$0x1] =	wrdreg $0xFFFFFFFF  }
0xad: {  	s28 =	simm.s32 $_size_execute0_lowered;
	s5 =	sadd.s32 s5, s7;
	[dreg:$0x0] =	wrdreg $0x0  }
0xae: {  	s7 =	sshll.u32 s28, $0x1;
	[dreg:$0x2] =	wrdreg s5  }
0xaf: {  	[dreg:$0x3] =	wrdreg s7  }
0xb0: {  	[dreg:$0x4] =	wrdreg $0xC0  }
0xb1: {  	_ =	task [dreg:s9], $0x5FFFF  }
0xb2: {  	[dreg:$0x1] =	wrdreg $0xFFFFFFFF  }
0xb3: {  	[dreg:$0x0] =	wrdreg $0x60  }
0xb4: {  	[dreg:$0x2] =	wrdreg s15  }
0xb5: {  	[dreg:$0x3] =	wrdreg s17  }
0xb6: {  	[dreg:$0x4] =	wrdreg s24  }
0xb7: {  	[dreg:$0x5] =	wrdreg s16  }
0xb8: {  	[dreg:$0x6] =	wrdreg $0xA8000  }
0xb9: {  	[dreg:$0x7] =	wrdreg $0x9  }
0xba: {  	_ =	task.clear_ibuf [dreg:s9], $0x8FFFF;
	_ =	strace $0x90000046  }
0xbb: {  	s29 =	simm.s32 $0x9;
	_ =	strace $0x80000048  }
0xbc: {  	_ =	swait.ge [sflag:s29], $0x1  }
0xbd: {  	[sflag:s29] =	ssyncadd.s32 $0xFFFFFFFF  }
0xbe: {  	_ =	strace $0x90000048  }
0xbf: {  	_ =	sfence  }
0xc0: {  	s30 =	sld [smem:$0x0];
	_ =	sdelay $0x2  }
0xc1: {  	s31 =	sshll.u32 s1, $0xD;
	s1 =	sshrl.u32 s1, $0x2  }
0xc2: {  	s3 =	sand.u32 $0x4000, s31;
	s1 =	sadd.s32 s1, s30  }
0xc3: {  	s0 =	sor.u32 s3, s0;
	s1 =	sshll.u32 s1, $0x11  }
0xc4: {  	s0 =	sor.u32 s1, s0  }
0xc5: {  	s0 =	sadd.s32 $0x8F2B, s0  }
0xc6: {  	[sflag:s0] =	ssyncadd.remote.s32 $0x1  }
0xc7: {  	_ =	sfence.sel $0xFFFF  }
0xc8: {  	[dreg:$0x0] =	wrdreg $0xFFFFFFFF;
	(pc) =	sbr.abs _section_cstart, $3  }
0xc9: {  	[dreg:$0x1] =	wrdreg $0xFFFFFFFF  }
0xca: {  	_ =	task.clear_ibuf [dreg:s9], $0x2FFFF;
	_ =	strace $0x9FFFFFFF  }
0xcb: {  	(tm) =	ssettm $0x7FFFFFFF  }
tec
execute0_lowered:
.L_overlay_start_1:
0x0: {  	(tag) =	ssettag $0x1  }
0x1: {  	s1 =	rddreg [dreg:$0x0]  }
0x2: {  	s0 =	rddreg [dreg:$0x1]  }
0x3: {  	s3 =	rddreg [dreg:$0x2]  }
0x4: {  	s5 =	rddreg [dreg:$0x3]  }
0x5: {  	s2 =	rddreg [dreg:$0x4];
	s4 =	simm.s32 $0x0  }
0x6: {  	s6 =	srdreg.scid;
	s8 =	stileid.u32;
	s28 =	simm.s32 $0x2  }
0x7: {  	s29 =	simm.s32 $0x1380;
	s30 =	simm.s32 $0x2700;
	s31 =	simm.s32 $0x2780  }
0x8: {  	[smem:$0x7FF] =	sst s4;
	s10 =	sand.u32 $0x1, s6;
	s7 =	smul.u32 $0x50000, s8  }
0x9: {  	s14 =	sadd.s32 $0x2600, s3;
	s3 =	sadd.s32 $0xC600, s3;
	s13 =	smul.u32 $0x14000, s8  }
0xa: {  	s11 =	sshll.u32 s8, $0x1;
	_ =	strace $0x80000047;
	s6 =	ssub.s32 $0x2, s10  }
0xb: {  	[dreg:$0x6] =	wrdreg s3;
	s8 =	sor.u32 s10, s11;
	s20 =	smul.u32 $0x140000, s10  }
0xc: {  	s9 =	sshrl.u32 s6, $0x1;
	s7 =	sshrl.u32 s7, $0x2;
	s15 =	sadd.s32 $0x4000, s13  }
0xd: {  	s17 =	sadd.s32 $0x8000, s13;
	s18 =	sadd.s32 $0xC000, s13;
	s11 =	smul.u32 $0x2800, s8  }
0xe: {  	s19 =	sadd.s32 $0x10000, s13;
	s3 =	ssub.s32 s6, s9;
	s6 =	sadd.s32 s7, s2  }
0xf: {  	s7 =	sadd.s32 s15, s2;
	s8 =	sadd.s32 s17, s2;
	s9 =	sadd.s32 s18, s2  }
0x10: {  	s10 =	sadd.s32 s19, s2;
	s21 =	sadd.s32 s13, s20;
	s15 =	sadd.s32 s20, s15  }
0x11: {  	s23 =	sadd.s32 s20, s17;
	s24 =	sadd.s32 s20, s18;
	s25 =	sadd.s32 s20, s19  }
0x12: {  	s16 =	sshrl.u32 s11, $0x3;
	s21 =	sshrl.u32 s21, $0x3;
	s22 =	sshrl.u32 s15, $0x3  }
0x13: {  	s26 =	sshrl.u32 s24, $0x3;
	s20 =	sshrl.u32 s25, $0x3;
	s24 =	simm.s32 $0x80  }
0x14: {  	s25 =	simm.s32 $0x6800;
	s11 =	sadd.s32 s0, s16;
	s12 =	sadd.s32 s14, s16  }
0x15: {  	s16 =	sadd.s32 $0x280, s16;
	s15 =	sadd.s32 s5, s21;
	s18 =	sadd.s32 s5, s26  }
0x16: {  	s19 =	sadd.s32 s5, s20;
	s20 =	smax.u32 s3, $0x1;
	[dreg:$0x7] =	wrdreg s11  }
0x17: {  	s21 =	simm.s32 $0x2800;
	s26 =	simm.s32 $0x1;
	[dreg:$0x8] =	wrdreg s12  }
0x18: {  	s0 =	sadd.s32 s0, s16;
	s14 =	sadd.s32 s14, s16;
	s16 =	sadd.s32 s5, s22  }
0x19: {  	s22 =	simm.s32 $0x3;
	[dreg:$0x9] =	wrdreg s0;
	s0 =	sshrl.u32 s23, $0x3  }
0x1a: {  	s23 =	simm.s32 $0x1400;
	s17 =	sadd.s32 s5, s0;
	s0 =	simm.s32 $0x0  }
.LBB2_1:
0x1b: {  	s3 =	rddreg [dreg:$0x6]  }
0x1c: {  	[tilespmem:s21], [sflag:$0x3] =	stream.linear.gather [hbm4b:s3+s4], $0x4000, $0x38;
	[tilespmem:$0x1E800] =	vst v63  }
0x1d: {  	_ =	swait.ge [sflag:s22], $0x4000  }
0x1e: {  	[sflag:s22] =	ssyncset.done $0x0  }
0x1f: {  	[sflag:s22] =	ssyncadd.s32 $0xFFFFC000  }
0x20: {  	[spmem:s6] =	stream.linear.scatter [tilespmem:s21], [sflag:$0x3], $0x4000, $0x38;
	[tilespmem:$0x1E800] =	vst v63  }
0x21: {  	_ =	swait.ge [sflag:s22], $0x4000  }
0x22: {  	[sflag:s22] =	ssyncset.done $0x0  }
0x23: {  	[sflag:s22] =	ssyncadd.s32 $0xFFFFC000  }
0x24: {  	[spmem:s7] =	stream.linear.scatter [tilespmem:s21], [sflag:$0x3], $0x4000, $0x38;
	[tilespmem:$0x1E800] =	vst v63  }
0x25: {  	_ =	swait.ge [sflag:s22], $0x4000  }
0x26: {  	[sflag:s22] =	ssyncset.done $0x0  }
0x27: {  	[sflag:s22] =	ssyncadd.s32 $0xFFFFC000  }
0x28: {  	[spmem:s8] =	stream.linear.scatter [tilespmem:s21], [sflag:$0x3], $0x4000, $0x38;
	[tilespmem:$0x1E800] =	vst v63  }
0x29: {  	_ =	swait.ge [sflag:s22], $0x4000  }
0x2a: {  	[sflag:s22] =	ssyncset.done $0x0  }
0x2b: {  	[sflag:s22] =	ssyncadd.s32 $0xFFFFC000  }
0x2c: {  	[spmem:s9] =	stream.linear.scatter [tilespmem:s21], [sflag:$0x3], $0x4000, $0x38;
	[tilespmem:$0x1E800] =	vst v63  }
0x2d: {  	_ =	swait.ge [sflag:s22], $0x4000  }
0x2e: {  	[sflag:s22] =	ssyncset.done $0x0  }
0x2f: {  	[sflag:s22] =	ssyncadd.s32 $0xFFFFC000  }
0x30: {  	[spmem:s10] =	stream.linear.scatter [tilespmem:s21], [sflag:$0x3], $0x4000, $0x38;
	[tilespmem:$0x1E800] =	vst v63  }
0x31: {  	_ =	swait.ge [sflag:s22], $0x4000  }
0x32: {  	[sflag:s22] =	ssyncset.done $0x0  }
0x33: {  	[sflag:s22] =	ssyncadd.s32 $0xFFFFC000  }
0x34: {  	[bflag:$0x0] =	sbarrier.arrive $0xFFFF  }
0x35: {  	s12 =	rddreg [dreg:$0x7]  }
0x36: {  	[tilespmem:s4], [sflag:$0x3] =	stream.linear.gather [hbm4b:s12+s4], $0x1400, $0x38;
	[tilespmem:$0x1E800] =	vst v63  }
0x37: {  	_ =	swait.ge [sflag:s22], $0x1400  }
0x38: {  	[sflag:s22] =	ssyncset.done $0x0  }
0x39: {  	s13 =	rddreg [dreg:$0x8];
	[sflag:s22] =	ssyncadd.s32 $0xFFFFEC00  }
0x3a: {  	[tilespmem:s23], [sflag:$0x3] =	stream.linear.gather [hbm4b:s13+s4], $0x1400, $0x38;
	[tilespmem:$0x1E800] =	vst v63  }
0x3b: {  	_ =	swait.ge [sflag:s22], $0x1400  }
0x3c: {  	[sflag:s22] =	ssyncset.done $0x0  }
0x3d: {  	[sflag:s22] =	ssyncadd.s32 $0xFFFFEC00  }
0x3e: {  	[tilespmem:s21], [sflag:$0x1] =	stream.indirect.gather [hbm4b:s1+s24], $0x80, s4, s24, $0xb8;
	[tilespmem:$0x1E800] =	vst v63  }
0x3f: {  	s5 =	simm.s32 $0x80  }
0x40: {  	[tilespmem:s25], [sflag:$0x2] =	stream.indirect.gather [hbm4b:s1+s24], $0x80, s5, s24, $0xb8;
	[tilespmem:$0x1E800] =	vst v63  }
0x41: {  	_ =	swait.ge [sflag:s26], $0x4000  }
0x42: {  	[sflag:s26] =	ssyncset.done $0x0  }
0x43: {  	s11 =	simm.s32 $0x1400;
	[sflag:s26] =	ssyncadd.s32 $0xFFFFC000  }
0x44: {  	[spmem:s2] =	stream.indirect.scatter.add.f32 [tilespmem:s21], [sflag:$0x3], $0x80, s11, s24, $0xb8;
	[tilespmem:$0x1E800] =	vst v63  }
0x45: {  	_ =	swait.ge [sflag:s22], $0x4000  }
0x46: {  	[sflag:s22] =	ssyncset.done $0x0  }
0x47: {  	s12 =	simm.s32 $0x100;
	[sflag:s22] =	ssyncadd.s32 $0xFFFFC000  }
0x48: {  	[tilespmem:s21], [sflag:$0x1] =	stream.indirect.gather [hbm4b:s1+s24], $0x80, s12, s24, $0xb8;
	[tilespmem:$0x1E800] =	vst v63  }
0x49: {  	_ =	swait.ge [sflag:s28], $0x4000  }
0x4a: {  	[sflag:s28] =	ssyncset.done $0x0  }
0x4b: {  	s13 =	simm.s32 $0x1480;
	[sflag:s28] =	ssyncadd.s32 $0xFFFFC000  }
0x4c: {  	[spmem:s2] =	stream.indirect.scatter.add.f32 [tilespmem:s25], [sflag:$0x3], $0x80, s13, s24, $0xb8;
	[tilespmem:$0x1E800] =	vst v63  }
0x4d: {  	_ =	swait.ge [sflag:s22], $0x4000  }
0x4e: {  	s3 =	simm.s32 $0x100;
	s5 =	simm.s32 $0x800;
	[sflag:s22] =	ssyncset.done $0x0  }
.LBB2_2:
0x4f: {  	s11 =	sadd.s32 $0x80, s3  }
0x50: {  	[sflag:s22] =	ssyncadd.s32 $0xFFFFC000;
	s12 =	smov.u32 s5;
	s13 =	sadd.s32 $0x400, s5  }
0x51: {  	[tilespmem:s25], [sflag:$0x2] =	stream.indirect.gather [hbm4b:s1+s24], $0x80, s11, s24, $0xb8;
	[tilespmem:$0x1E800] =	vst v63  }
0x52: {  	p0 =	sne.s32 s5, $0x4800;
	_ =	swait.ge [sflag:s26], $0x4000  }
0x53: {  	[sflag:s26] =	ssyncset.done $0x0  }
0x54: {  	s5 =	sadd.s32 $0x1400, s3;
	[sflag:s26] =	ssyncadd.s32 $0xFFFFC000  }
0x55: {  	[spmem:s2] =	stream.indirect.scatter.add.f32 [tilespmem:s21], [sflag:$0x3], $0x80, s5, s24, $0xb8;
	[tilespmem:$0x1E800] =	vst v63  }
0x56: {  	_ =	swait.ge [sflag:s22], $0x4000  }
0x57: {  	[sflag:s22] =	ssyncset.done $0x0  }
0x58: {  	s5 =	sadd.s32 $0x100, s3;
	[sflag:s22] =	ssyncadd.s32 $0xFFFFC000  }
0x59: {  	[tilespmem:s21], [sflag:$0x1] =	stream.indirect.gather [hbm4b:s1+s24], $0x80, s5, s24, $0xb8;
	[tilespmem:$0x1E800] =	vst v63  }
0x5a: {  	_ =	swait.ge [sflag:s28], $0x4000  }
.Ltmp0:
0x5b: {  	[sflag:s28] =	ssyncset.done $0x0;
	(pc) =	sbr.rel @p0 .LBB2_2-.Ltmp0, $4  }
0x5c: {  	s3 =	sadd.s32 $0x1480, s3;
	[sflag:s28] =	ssyncadd.s32 $0xFFFFC000  }
0x5d: {  	[spmem:s2] =	stream.indirect.scatter.add.f32 [tilespmem:s25], [sflag:$0x3], $0x80, s3, s24, $0xb8;
	[tilespmem:$0x1E800] =	vst v63  }
0x5e: {  	_ =	swait.ge [sflag:s22], $0x4000  }
0x5f: {  	s5 =	smov.u32 s13;
	s3 =	sshra.s32 s12, $0x2;
	[sflag:s22] =	ssyncset.done $0x0  }
0x60: {  	s5 =	sadd.s32 $0x80, s3;
	[sflag:s22] =	ssyncadd.s32 $0xFFFFC000  }
0x61: {  	[tilespmem:s25], [sflag:$0x2] =	stream.indirect.gather [hbm4b:s1+s24], $0x80, s5, s24, $0xb8;
	[tilespmem:$0x1E800] =	vst v63  }
0x62: {  	_ =	swait.ge [sflag:s26], $0x4000  }
0x63: {  	[sflag:s26] =	ssyncset.done $0x0  }
0x64: {  	s12 =	sadd.s32 $0x1400, s3;
	[sflag:s26] =	ssyncadd.s32 $0xFFFFC000  }
0x65: {  	[spmem:s2] =	stream.indirect.scatter.add.f32 [tilespmem:s21], [sflag:$0x3], $0x80, s12, s24, $0xb8;
	[tilespmem:$0x1E800] =	vst v63  }
0x66: {  	_ =	swait.ge [sflag:s22], $0x4000  }
0x67: {  	[sflag:s22] =	ssyncset.done $0x0  }
0x68: {  	s13 =	sadd.s32 $0x100, s3;
	[sflag:s22] =	ssyncadd.s32 $0xFFFFC000  }
0x69: {  	[tilespmem:s21], [sflag:$0x1] =	stream.indirect.gather [hbm4b:s1+s24], $0x80, s13, s24, $0xb8;
	[tilespmem:$0x1E800] =	vst v63  }
0x6a: {  	_ =	swait.ge [sflag:s28], $0x4000  }
0x6b: {  	[sflag:s28] =	ssyncset.done $0x0  }
0x6c: {  	s11 =	sadd.s32 $0x1480, s3;
	[sflag:s28] =	ssyncadd.s32 $0xFFFFC000  }
0x6d: {  	[spmem:s2] =	stream.indirect.scatter.add.f32 [tilespmem:s25], [sflag:$0x3], $0x80, s11, s24, $0xb8;
	[tilespmem:$0x1E800] =	vst v63  }
0x6e: {  	_ =	swait.ge [sflag:s22], $0x4000  }
0x6f: {  	[sflag:s22] =	ssyncset.done $0x0  }
0x70: {  	[sflag:s22] =	ssyncadd.s32 $0xFFFFC000  }
0x71: {  	[tilespmem:s25], [sflag:$0x2] =	stream.indirect.gather [hbm4b:s1+s24], $0x80, s29, s24, $0xb8;
	[tilespmem:$0x1E800] =	vst v63  }
0x72: {  	_ =	swait.ge [sflag:s26], $0x4000  }
0x73: {  	[sflag:s26] =	ssyncset.done $0x0  }
0x74: {  	[sflag:s26] =	ssyncadd.s32 $0xFFFFC000  }
0x75: {  	[spmem:s2] =	stream.indirect.scatter.add.f32 [tilespmem:s21], [sflag:$0x3], $0x80, s30, s24, $0xb8;
	[tilespmem:$0x1E800] =	vst v63  }
0x76: {  	_ =	swait.ge [sflag:s22], $0x4000  }
0x77: {  	[sflag:s22] =	ssyncset.done $0x0  }
0x78: {  	[sflag:s22] =	ssyncadd.s32 $0xFFFFC000  }
0x79: {  	_ =	swait.ge [sflag:s28], $0x4000  }
0x7a: {  	[sflag:s28] =	ssyncset.done $0x0  }
0x7b: {  	[sflag:s28] =	ssyncadd.s32 $0xFFFFC000  }
0x7c: {  	[spmem:s2] =	stream.indirect.scatter.add.f32 [tilespmem:s25], [sflag:$0x3], $0x80, s31, s24, $0xb8;
	[tilespmem:$0x1E800] =	vst v63  }
0x7d: {  	_ =	swait.ge [sflag:s22], $0x4000  }
0x7e: {  	[sflag:s22] =	ssyncset.done $0x0  }
0x7f: {  	s12 =	simm.s32 $0x0;
	s13 =	rddreg [dreg:$0x9];
	[sflag:s22] =	ssyncadd.s32 $0xFFFFC000  }
0x80: {  	[tilespmem:s12], [sflag:$0x3] =	stream.linear.gather [hbm4b:s13+s12], $0x1400, $0x38;
	[tilespmem:$0x1E800] =	vst v63  }
0x81: {  	_ =	swait.ge [sflag:s22], $0x1400  }
0x82: {  	[sflag:s22] =	ssyncset.done $0x0  }
0x83: {  	[sflag:s22] =	ssyncadd.s32 $0xFFFFEC00  }
0x84: {  	[tilespmem:s23], [sflag:$0x3] =	stream.linear.gather [hbm4b:s14+s12], $0x1400, $0x38;
	[tilespmem:$0x1E800] =	vst v63  }
0x85: {  	_ =	swait.ge [sflag:s22], $0x1400  }
0x86: {  	[sflag:s22] =	ssyncset.done $0x0  }
0x87: {  	[sflag:s22] =	ssyncadd.s32 $0xFFFFEC00  }
0x88: {  	[tilespmem:s21], [sflag:$0x1] =	stream.indirect.gather [hbm4b:s1+s24], $0x80, s12, s24, $0xb8;
	[tilespmem:$0x1E800] =	vst v63  }
0x89: {  	s5 =	simm.s32 $0x80  }
0x8a: {  	[tilespmem:s25], [sflag:$0x2] =	stream.indirect.gather [hbm4b:s1+s24], $0x80, s5, s24, $0xb8;
	[tilespmem:$0x1E800] =	vst v63  }
0x8b: {  	_ =	swait.ge [sflag:s26], $0x4000  }
0x8c: {  	[sflag:s26] =	ssyncset.done $0x0  }
0x8d: {  	s11 =	simm.s32 $0x1400;
	[sflag:s26] =	ssyncadd.s32 $0xFFFFC000  }
0x8e: {  	[spmem:s2] =	stream.indirect.scatter.add.f32 [tilespmem:s21], [sflag:$0x3], $0x80, s11, s24, $0xb8;
	[tilespmem:$0x1E800] =	vst v63  }
0x8f: {  	_ =	swait.ge [sflag:s22], $0x4000  }
0x90: {  	[sflag:s22] =	ssyncset.done $0x0  }
0x91: {  	s12 =	simm.s32 $0x100;
	[sflag:s22] =	ssyncadd.s32 $0xFFFFC000  }
0x92: {  	[tilespmem:s21], [sflag:$0x1] =	stream.indirect.gather [hbm4b:s1+s24], $0x80, s12, s24, $0xb8;
	[tilespmem:$0x1E800] =	vst v63  }
0x93: {  	_ =	swait.ge [sflag:s28], $0x4000  }
0x94: {  	[sflag:s28] =	ssyncset.done $0x0  }
0x95: {  	s13 =	simm.s32 $0x1480;
	[sflag:s28] =	ssyncadd.s32 $0xFFFFC000  }
0x96: {  	[spmem:s2] =	stream.indirect.scatter.add.f32 [tilespmem:s25], [sflag:$0x3], $0x80, s13, s24, $0xb8;
	[tilespmem:$0x1E800] =	vst v63  }
0x97: {  	_ =	swait.ge [sflag:s22], $0x4000  }
0x98: {  	s3 =	simm.s32 $0x100;
	s5 =	simm.s32 $0x800;
	[sflag:s22] =	ssyncset.done $0x0  }
.LBB2_4:
0x99: {  	s11 =	sadd.s32 $0x80, s3  }
0x9a: {  	[sflag:s22] =	ssyncadd.s32 $0xFFFFC000;
	s12 =	smov.u32 s5;
	s13 =	sadd.s32 $0x400, s5  }
0x9b: {  	[tilespmem:s25], [sflag:$0x2] =	stream.indirect.gather [hbm4b:s1+s24], $0x80, s11, s24, $0xb8;
	[tilespmem:$0x1E800] =	vst v63  }
0x9c: {  	p0 =	sne.s32 s5, $0x4800;
	_ =	swait.ge [sflag:s26], $0x4000  }
0x9d: {  	[sflag:s26] =	ssyncset.done $0x0  }
0x9e: {  	s5 =	sadd.s32 $0x1400, s3;
	[sflag:s26] =	ssyncadd.s32 $0xFFFFC000  }
0x9f: {  	[spmem:s2] =	stream.indirect.scatter.add.f32 [tilespmem:s21], [sflag:$0x3], $0x80, s5, s24, $0xb8;
	[tilespmem:$0x1E800] =	vst v63  }
0xa0: {  	_ =	swait.ge [sflag:s22], $0x4000  }
0xa1: {  	[sflag:s22] =	ssyncset.done $0x0  }
0xa2: {  	s5 =	sadd.s32 $0x100, s3;
	[sflag:s22] =	ssyncadd.s32 $0xFFFFC000  }
0xa3: {  	[tilespmem:s21], [sflag:$0x1] =	stream.indirect.gather [hbm4b:s1+s24], $0x80, s5, s24, $0xb8;
	[tilespmem:$0x1E800] =	vst v63  }
0xa4: {  	_ =	swait.ge [sflag:s28], $0x4000  }
.Ltmp1:
0xa5: {  	[sflag:s28] =	ssyncset.done $0x0;
	(pc) =	sbr.rel @p0 .LBB2_4-.Ltmp1, $4  }
0xa6: {  	s3 =	sadd.s32 $0x1480, s3;
	[sflag:s28] =	ssyncadd.s32 $0xFFFFC000  }
0xa7: {  	[spmem:s2] =	stream.indirect.scatter.add.f32 [tilespmem:s25], [sflag:$0x3], $0x80, s3, s24, $0xb8;
	[tilespmem:$0x1E800] =	vst v63  }
0xa8: {  	_ =	swait.ge [sflag:s22], $0x4000  }
0xa9: {  	s5 =	smov.u32 s13;
	s3 =	sshra.s32 s12, $0x2;
	[sflag:s22] =	ssyncset.done $0x0  }
0xaa: {  	s5 =	sadd.s32 $0x80, s3;
	[sflag:s22] =	ssyncadd.s32 $0xFFFFC000  }
0xab: {  	[tilespmem:s25], [sflag:$0x2] =	stream.indirect.gather [hbm4b:s1+s24], $0x80, s5, s24, $0xb8;
	[tilespmem:$0x1E800] =	vst v63  }
0xac: {  	_ =	swait.ge [sflag:s26], $0x4000  }
0xad: {  	[sflag:s26] =	ssyncset.done $0x0  }
0xae: {  	s11 =	sadd.s32 $0x1400, s3;
	[sflag:s26] =	ssyncadd.s32 $0xFFFFC000  }
0xaf: {  	[spmem:s2] =	stream.indirect.scatter.add.f32 [tilespmem:s21], [sflag:$0x3], $0x80, s11, s24, $0xb8;
	[tilespmem:$0x1E800] =	vst v63  }
0xb0: {  	_ =	swait.ge [sflag:s22], $0x4000  }
0xb1: {  	[sflag:s22] =	ssyncset.done $0x0  }
0xb2: {  	s12 =	sadd.s32 $0x100, s3;
	[sflag:s22] =	ssyncadd.s32 $0xFFFFC000  }
0xb3: {  	[tilespmem:s21], [sflag:$0x1] =	stream.indirect.gather [hbm4b:s1+s24], $0x80, s12, s24, $0xb8;
	[tilespmem:$0x1E800] =	vst v63  }
0xb4: {  	_ =	swait.ge [sflag:s28], $0x4000  }
0xb5: {  	[sflag:s28] =	ssyncset.done $0x0  }
0xb6: {  	s13 =	sadd.s32 $0x1480, s3;
	[sflag:s28] =	ssyncadd.s32 $0xFFFFC000  }
0xb7: {  	[spmem:s2] =	stream.indirect.scatter.add.f32 [tilespmem:s25], [sflag:$0x3], $0x80, s13, s24, $0xb8;
	[tilespmem:$0x1E800] =	vst v63  }
0xb8: {  	_ =	swait.ge [sflag:s22], $0x4000  }
0xb9: {  	[sflag:s22] =	ssyncset.done $0x0  }
0xba: {  	[sflag:s22] =	ssyncadd.s32 $0xFFFFC000  }
0xbb: {  	[tilespmem:s25], [sflag:$0x2] =	stream.indirect.gather [hbm4b:s1+s24], $0x80, s29, s24, $0xb8;
	[tilespmem:$0x1E800] =	vst v63  }
0xbc: {  	_ =	swait.ge [sflag:s26], $0x4000  }
0xbd: {  	[sflag:s26] =	ssyncset.done $0x0  }
0xbe: {  	[sflag:s26] =	ssyncadd.s32 $0xFFFFC000  }
0xbf: {  	[spmem:s2] =	stream.indirect.scatter.add.f32 [tilespmem:s21], [sflag:$0x3], $0x80, s30, s24, $0xb8;
	[tilespmem:$0x1E800] =	vst v63  }
0xc0: {  	_ =	swait.ge [sflag:s22], $0x4000  }
0xc1: {  	[sflag:s22] =	ssyncset.done $0x0  }
0xc2: {  	[sflag:s22] =	ssyncadd.s32 $0xFFFFC000  }
0xc3: {  	_ =	swait.ge [sflag:s28], $0x4000  }
0xc4: {  	[sflag:s28] =	ssyncset.done $0x0  }
0xc5: {  	[sflag:s28] =	ssyncadd.s32 $0xFFFFC000  }
0xc6: {  	[spmem:s2] =	stream.indirect.scatter.add.f32 [tilespmem:s25], [sflag:$0x3], $0x80, s31, s24, $0xb8;
	[tilespmem:$0x1E800] =	vst v63  }
0xc7: {  	_ =	swait.ge [sflag:s22], $0x4000  }
0xc8: {  	[sflag:s22] =	ssyncset.done $0x0  }
0xc9: {  	[sflag:s22] =	ssyncadd.s32 $0xFFFFC000  }
0xca: {  	[bflag:$0x0] =	sbarrier.arrive $0xFFFF  }
0xcb: {  	[tilespmem:s21], [sflag:$0x3] =	stream.linear.gather [spmem:s6], $0x4000, $0x38;
	[tilespmem:$0x1E800] =	vst v63  }
0xcc: {  	_ =	swait.ge [sflag:s22], $0x4000  }
0xcd: {  	[sflag:s22] =	ssyncset.done $0x0  }
0xce: {  	[sflag:s22] =	ssyncadd.s32 $0xFFFFC000  }
0xcf: {  	[hbm4b:s15+s4] =	stream.linear.scatter [tilespmem:s21], [sflag:$0x3], $0x4000, $0x38;
	[tilespmem:$0x1E800] =	vst v63  }
0xd0: {  	_ =	swait.ge [sflag:s22], $0x4000  }
0xd1: {  	[sflag:s22] =	ssyncset.done $0x0  }
0xd2: {  	[sflag:s22] =	ssyncadd.s32 $0xFFFFC000  }
0xd3: {  	[tilespmem:s21], [sflag:$0x3] =	stream.linear.gather [spmem:s7], $0x4000, $0x38;
	[tilespmem:$0x1E800] =	vst v63  }
0xd4: {  	_ =	swait.ge [sflag:s22], $0x4000  }
0xd5: {  	[sflag:s22] =	ssyncset.done $0x0  }
0xd6: {  	[sflag:s22] =	ssyncadd.s32 $0xFFFFC000  }
0xd7: {  	[hbm4b:s16+s4] =	stream.linear.scatter [tilespmem:s21], [sflag:$0x3], $0x4000, $0x38;
	[tilespmem:$0x1E800] =	vst v63  }
0xd8: {  	_ =	swait.ge [sflag:s22], $0x4000  }
0xd9: {  	[sflag:s22] =	ssyncset.done $0x0  }
0xda: {  	[sflag:s22] =	ssyncadd.s32 $0xFFFFC000  }
0xdb: {  	[tilespmem:s21], [sflag:$0x3] =	stream.linear.gather [spmem:s8], $0x4000, $0x38;
	[tilespmem:$0x1E800] =	vst v63  }
0xdc: {  	_ =	swait.ge [sflag:s22], $0x4000  }
0xdd: {  	[sflag:s22] =	ssyncset.done $0x0  }
0xde: {  	[sflag:s22] =	ssyncadd.s32 $0xFFFFC000  }
0xdf: {  	[hbm4b:s17+s4] =	stream.linear.scatter [tilespmem:s21], [sflag:$0x3], $0x4000, $0x38;
	[tilespmem:$0x1E800] =	vst v63  }
0xe0: {  	_ =	swait.ge [sflag:s22], $0x4000  }
0xe1: {  	[sflag:s22] =	ssyncset.done $0x0  }
0xe2: {  	[sflag:s22] =	ssyncadd.s32 $0xFFFFC000  }
0xe3: {  	[tilespmem:s21], [sflag:$0x3] =	stream.linear.gather [spmem:s9], $0x4000, $0x38;
	[tilespmem:$0x1E800] =	vst v63  }
0xe4: {  	_ =	swait.ge [sflag:s22], $0x4000  }
0xe5: {  	[sflag:s22] =	ssyncset.done $0x0  }
0xe6: {  	[sflag:s22] =	ssyncadd.s32 $0xFFFFC000  }
0xe7: {  	[hbm4b:s18+s4] =	stream.linear.scatter [tilespmem:s21], [sflag:$0x3], $0x4000, $0x38;
	[tilespmem:$0x1E800] =	vst v63  }
0xe8: {  	_ =	swait.ge [sflag:s22], $0x4000  }
0xe9: {  	[sflag:s22] =	ssyncset.done $0x0  }
0xea: {  	[sflag:s22] =	ssyncadd.s32 $0xFFFFC000  }
0xeb: {  	[tilespmem:s21], [sflag:$0x3] =	stream.linear.gather [spmem:s10], $0x4000, $0x38;
	[tilespmem:$0x1E800] =	vst v63  }
0xec: {  	s0 =	sadd.s32 $0x1, s0;
	_ =	swait.ge [sflag:s22], $0x4000  }
0xed: {  	p0 =	sne.s32 s0, s20;
	[sflag:s22] =	ssyncset.done $0x0  }
.Ltmp2:
0xee: {  	[sflag:s22] =	ssyncadd.s32 $0xFFFFC000;
	(pc) =	sbr.rel @p0 .LBB2_1-.Ltmp2, $4  }
0xef: {  	[hbm4b:s19+s4] =	stream.linear.scatter [tilespmem:s21], [sflag:$0x3], $0x4000, $0x38;
	[tilespmem:$0x1E800] =	vst v63  }
0xf0: {  	_ =	swait.ge [sflag:s22], $0x4000  }
0xf1: {  	[sflag:s22] =	ssyncset.done $0x0  }
0xf2: {  	[sflag:s22] =	ssyncadd.s32 $0xFFFFC000  }
0xf3: {  	_ =	sfence.sel $0x180000  }
0xf4: {  	[bflag:$0x0] =	sbarrier.arrive $0xFFFF  }
0xf5: {  	_ =	strace $0x90000047  }
0xf6: {  	s0 =	stileid.u32;
	[bflag:$0x2] =	sbarrier.arrive $0xFFFF  }
0xf7: {  	p0 =	sne.s32 s0, $0x0;
	s0 =	rddreg [dreg:$0x5]  }
0xf8: {  	s0 =	sadd.s32 @!p0 $0x100000, s0  }
0xf9: {  	[sflag:s0] =	ssyncadd.tile.s32 @!p0 $0x1;
	_ =	shalt  }
.Lfunc_end2:
_tile_overlayer_lowered:
.L_overlay_start_2:
0xfa: {  	(tag) =	ssettag $0x2  }
0xfb: {  	s0 =	rddreg [dreg:$0x0];
	s2 =	stileid.u32  }
0xfc: {  	s1 =	rddreg [dreg:$0x1];
	p0 =	sne.s32 s2, $0x0  }
0xfd: {  	s3 =	rddreg [dreg:$0x2];
	[bflag:$0x3] =	sbarrier.arrive $0xFFFF;
	s2 =	simm.s32 @!p0 $0x1C03  }
0xfe: {  	[timem:s3], [sflag:s2] =	dma.local @!p0 [hbm:s0], s1  }
0xff: {  	s0 =	simm.s32 @!p0 $0x3  }
0x100: {  	_ =	swait.ge @!p0 [sflag:s0], s1  }
0x101: {  	s1 =	ssub.s32 @!p0 $0x0, s1;
	[sflag:s0] =	ssyncset.done @!p0 $0x0  }
0x102: {  	[sflag:s0] =	ssyncadd.s32 @!p0 s1  }
0x103: {  	[bflag:$0x3] =	sbarrier.arrive $0xFFFF  }
0x104: {  	_ =	shalt  }

// kernel: kernel.9.cloned.1.call-start
scs
__scs_entry_jumppad:
0x0: {  	(pc) =	sbr.rel $0x88, $3  }
0x1: {  	(tag) =	ssettag $0x0;
	lr =	simm.s32 $0x1  }
0x2: {  	[smem:$0x3F97] =	sst lr;
	_ =	strace $0xD0000000  }
0x3: {  	_ = 	snop  }
0x4: {  	_ = 	snop  }
0x5: {  	_ = 	snop  }
0x6: {  	_ = 	snop  }
0x7: {  	_ = 	snop  }
__scs_overlays_trampoline_lowered:
0x8: {  	[smem:$0x3FA6] =	sst s0  }
0x9: {  	[smem:$0x3FA7] =	sst s1  }
0xa: {  	[smem:$0x3FA8] =	sst s2  }
0xb: {  	[smem:$0x3FA9] =	sst s3  }
0xc: {  	[smem:$0x3FAA] =	sst s4  }
0xd: {  	[smem:$0x3FAB] =	sst s5  }
0xe: {  	[smem:$0x3FAC] =	sst s6  }
0xf: {  	[smem:$0x3FAD] =	sst s7  }
0x10: {  	[smem:$0x3FAE] =	sst s8  }
0x11: {  	[smem:$0x3FAF] =	sst s9;
	s0 =	simm.s32 @!p0 $0x0  }
0x12: {  	s1 =	sld [smem:$0x3F95];
	s0 =	simm.s32 @p0 $0x1  }
0x13: {  	[smem:$0x3FB0] =	sst s0;
	s0 =	simm.s32 @!p1 $0x0  }
0x14: {  	s2 =	sld [smem:$0x3F94];
	s0 =	simm.s32 @p1 $0x1  }
0x15: {  	[smem:$0x3FB1] =	sst s0;
	s0 =	simm.s32 @!p2 $0x0  }
0x16: {  	s3 =	sld [smem:$0x3FDB];
	s0 =	simm.s32 @p2 $0x1  }
0x17: {  	s4 =	simm.s32 $0x1BF5;
	[smem:$0x3FB3] =	sst s0  }
0x18: {  	s0 =	sld [smem:$0x3F96];
	_ =	swait.ge [sflag:s4], $0x0  }
0x19: {  	s7 =	sld [smem:$0x3F97]  }
0x1a: {  	s8 =	sadd.s32 $0xFFFFE003, lr  }
0x1b: {  	s9 =	sadd.s32 $0xFFFFFEF7, lr;
	s5 =	simm.s32 $0xFFFFFFFF;
	p2 =	slt.u32 s8, $0xFFFFF086  }
0x1c: {  	p1 =	slt.u32 s9, $0xF7A;
	s5 =	simm.s32 @!p2 $0x0  }
0x1d: {  	s5 =	simm.s32 @p1 $0x1;
	p0 =	seq.s32 s7, s2  }
0x1e: {  	s7 =	smul.u32 @!p0 $0xF7A, s2;
	p2 =	seq.s32 @!p0 s5, $0x0  }
0x1f: {  	s9 =	smul.u32 $0xF7A, s1;
	s8 =	simm.s32 @!p0 $0x1BF5;
	p2 =	por !p2, p0  }
0x20: {  	[sflag:s8] =	ssyncset.s32 @!p0 $0xFFFFF086;
	s6 =	sadd.s32 @!p0 s3, s7;
	s7 =	simm.s32 @!p0 $0x108  }
0x21: {  	s3 =	sadd.s32 s3, s9;
	s6 =	sadd.s32 @!p0 $0x88, s6;
	s7 =	simm.s32 @p2 $0x1082  }
0x22: {  	[simem:s7], [sflag:s8] =	dma.local @!p0 [hbm:s6], $0xF7A  }
0x23: {  	s9 =	sor.u32 $0xD0000000, s2;
	s6 =	simm.s32 $0x108;
	_ =	swait.ge @!p0 [sflag:s8], $0x0  }
0x24: {  	s3 =	sadd.s32 $0x88, s3;
	s6 =	simm.s32 @!p1 $0x1082;
	[sflag:s4] =	ssyncset.s32 $0xFFFFF086  }
0x25: {  	[simem:s6], [sflag:s4] =	dma.local [hbm:s3], $0xF7A  }
0x26: {  	[smem:$0x3F97] =	sst s1;
	(tag) =	ssettag s2;
	_ =	strace s9  }
0x27: {  	s1 =	sld [smem:$0x3FA7]  }
0x28: {  	s2 =	sld [smem:$0x3FA8]  }
0x29: {  	s4 =	sld [smem:$0x3FAA]  }
0x2a: {  	p0 =	seq.s32 s5, $0x0;
	s5 =	sld [smem:$0x3FAB]  }
0x2b: {  	s6 =	sld [smem:$0x3FAC]  }
0x2c: {  	s7 =	sld [smem:$0x3FAD]  }
0x2d: {  	s3 =	simm.s32 $0x108;
	s8 =	sld [smem:$0x3FAE]  }
0x2e: {  	s3 =	simm.s32 @!p0 $0x1082;
	s9 =	sld [smem:$0x3FAF]  }
0x2f: {  	lr =	sadd.s32 s0, s3;
	s0 =	sld [smem:$0x3FA6]  }
0x30: {  	s3 =	sld [smem:$0x3FA9]  }
0x31: {  	[smem:$0x3FB2] =	sst s10  }
0x32: {  	s10 =	sld [smem:$0x3FB0];
	_ =	sdelay $0x3  }
0x33: {  	p0 =	seq.s32 s10, $0x1;
	s10 =	sld [smem:$0x3FB2];
	_ =	sdelay $0x3  }
0x34: {  	[smem:$0x3FB2] =	sst s10  }
0x35: {  	s10 =	sld [smem:$0x3FB1];
	_ =	sdelay $0x3  }
0x36: {  	p1 =	seq.s32 s10, $0x1;
	s10 =	sld [smem:$0x3FB2];
	_ =	sdelay $0x3  }
0x37: {  	[smem:$0x3FB2] =	sst s10  }
0x38: {  	s10 =	sld [smem:$0x3FB3]  }
0x39: {  	_ = 	snop;
	(pc) =	sbr.ind lr, $3  }
0x3a: {  	_ = 	snop  }
0x3b: {  	_ = 	snop  }
0x3c: {  	p2 =	seq.s32 s10, $0x1;
	s10 =	sld [smem:$0x3FB2]  }
0x3d: {  	_ =	shalt  }
0x3e: {  	_ =	shalt  }
0x3f: {  	_ =	shalt  }
0x40: {  	_ =	shalt  }
0x41: {  	_ =	shalt  }
0x42: {  	_ =	shalt  }
0x43: {  	_ =	shalt  }
0x44: {  	_ =	shalt  }
0x45: {  	_ =	shalt  }
0x46: {  	_ =	shalt  }
0x47: {  	_ =	shalt  }
0x48: {  	_ =	shalt  }
0x49: {  	_ =	shalt  }
0x4a: {  	_ =	shalt  }
0x4b: {  	_ =	shalt  }
0x4c: {  	_ =	shalt  }
0x4d: {  	_ =	shalt  }
0x4e: {  	_ =	shalt  }
0x4f: {  	_ =	shalt  }
0x50: {  	_ =	shalt  }
0x51: {  	_ =	shalt  }
0x52: {  	_ =	shalt  }
0x53: {  	_ =	shalt  }
0x54: {  	_ =	shalt  }
0x55: {  	_ =	shalt  }
0x56: {  	_ =	shalt  }
0x57: {  	_ =	shalt  }
0x58: {  	_ =	shalt  }
0x59: {  	_ =	shalt  }
0x5a: {  	_ =	shalt  }
0x5b: {  	_ =	shalt  }
0x5c: {  	_ =	shalt  }
0x5d: {  	_ =	shalt  }
0x5e: {  	_ =	shalt  }
0x5f: {  	_ =	shalt  }
0x60: {  	_ =	shalt  }
0x61: {  	_ =	shalt  }
0x62: {  	_ =	shalt  }
0x63: {  	_ =	shalt  }
0x64: {  	_ =	shalt  }
0x65: {  	_ =	shalt  }
0x66: {  	_ =	shalt  }
0x67: {  	_ =	shalt  }
0x68: {  	_ =	shalt  }
0x69: {  	_ =	shalt  }
0x6a: {  	_ =	shalt  }
0x6b: {  	_ =	shalt  }
0x6c: {  	_ =	shalt  }
0x6d: {  	_ =	shalt  }
0x6e: {  	_ =	shalt  }
0x6f: {  	_ =	shalt  }
0x70: {  	_ =	shalt  }
0x71: {  	_ =	shalt  }
0x72: {  	_ =	shalt  }
0x73: {  	_ =	shalt  }
0x74: {  	_ =	shalt  }
0x75: {  	_ =	shalt  }
0x76: {  	_ =	shalt  }
0x77: {  	_ =	shalt  }
0x78: {  	_ =	shalt  }
0x79: {  	_ =	shalt  }
0x7a: {  	_ =	shalt  }
0x7b: {  	_ =	shalt  }
0x7c: {  	_ =	shalt  }
0x7d: {  	_ =	shalt  }
0x7e: {  	_ =	shalt  }
0x7f: {  	_ =	shalt  }
0x80: {  	_ =	shalt  }
0x81: {  	_ =	shalt  }
0x82: {  	_ =	shalt  }
0x83: {  	_ =	shalt  }
0x84: {  	_ =	shalt  }
0x85: {  	_ =	shalt  }
0x86: {  	_ =	shalt  }
0x87: {  	_ =	shalt  }
.Lfunc_end0:
.L_simem_size_0:
called_computation.1_lowered:
.L_overlay_start_0:
0x88: {  	s2 =	sld [smem:$0x3FD9]  }
0x89: {  	s3 =	sld [smem:$0x3FFE];
	_ =	sdelay $0x1  }
0x8a: {  	s1 =	srdreg.scid  }
0x8b: {  	s0 =	sand.u32 $0x1, s1  }
0x8c: {  	s14 =	sshll.u32 s0, $0xA;
	s2 =	sadd.s32 s3, s2  }
0x8d: {  	s2 =	sadd.s32 s2, s14  }
0x8e: {  	[smem:$0x3FBE] =	sst s2  }
0x8f: {  	_ = 	snop  }
0x90: {  	s2 =	sld [smem:$0x3FD0];
	_ =	sdelay $0x2  }
0x91: {  	s15 =	simm.s32 $0xA;
	s4 =	simm.s32 $0x10  }
0x92: {  	[smem:s4], [sflag:s15] =	dma.local [hbm:s2], $0x1  }
0x93: {  	_ =	swait.eq [sflag:s15], $0x1  }
0x94: {  	[sflag:s15] =	ssyncset.done $0x0  }
0x95: {  	s16 =	sld [smem:$0x10];
	[sflag:s15] =	ssyncadd.s32 $0xFFFFFFFF  }
0x96: {  	s17 =	sld [smem:$0x11];
	(tm) =	ssettm $0x1  }
0x97: {  	s18 =	sld [smem:$0x3FFB];
	_ =	sdelay $0x3  }
0x98: {  	_ =	strace s18  }
0x99: {  	s4 =	sld [smem:$0x3FFC];
	_ =	sdelay $0x3  }
0x9a: {  	_ =	strace s4  }
0x9b: {  	s4 =	sld [smem:$0x3FFD];
	_ =	sdelay $0x3  }
0x9c: {  	_ =	strace s4  }
0x9d: {  	_ =	strace $0x8FFFFFFF  }
0x9e: {  	s19 =	sld [smem:$0x3FDB];
	_ =	sdelay $0x1  }
0x9f: {  	s5 =	simm.s32 $_scs_section_size  }
0xa0: {  	s6 =	simm.s32 $_size__tile_overlayer_lowered;
	s7 =	simm.s32 $_tile_overlayer_lowered  }
0xa1: {  	s22 =	simm.s32 $0x1BFF;
	s21 =	sshll.u32 s7, $0x1;
	s4 =	sadd.s32 s5, s19  }
0xa2: {  	s8 =	simm.s32 $0x0;
	s20 =	sshll.u32 s6, $0x1;
	s6 =	sadd.s32 s21, s4  }
0xa3: {  	[timem:s8], [sflag:s22] =	dma.local [hbm:s6], s20  }
0xa4: {  	_ =	swait.ge [sflag:s22], s20  }
0xa5: {  	s5 =	ssub.s32 $0x0, s20;
	[sflag:s22] =	ssyncset.done $0x0  }
0xa6: {  	[sflag:s22] =	ssyncadd.s32 s5;
	_ =	sdelay $0x1  }
0xa7: {  	s23 =	simm.s32 $0x1B8B  }
0xa8: {  	_ =	swait.ge [sflag:s23], $0x1  }
0xa9: {  	[sflag:s23] =	ssyncset.done $0x0  }
0xaa: {  	s25 =	simm.s32 $0x1B8E;
	s24 =	sld [smem:$0x3FFE];
	[sflag:s23] =	ssyncadd.s32 $0xFFFFFFFF  }
0xab: {  	s26 =	simm.s32 $execute0_lowered;
	[smem:$0x3FD2] =	sst s25  }
0xac: {  	s6 =	sshll.u32 s26, $0x1;
	_ =	strace $0x80000049;
	[dreg:$0x1] =	wrdreg $0xFFFFFFFF  }
0xad: {  	s28 =	simm.s32 $_size_execute0_lowered;
	s4 =	sadd.s32 s4, s6;
	[dreg:$0x0] =	wrdreg $0x0  }
0xae: {  	s6 =	sshll.u32 s28, $0x1;
	[dreg:$0x2] =	wrdreg s4  }
0xaf: {  	[dreg:$0x3] =	wrdreg s6  }
0xb0: {  	[dreg:$0x4] =	wrdreg $0xC0  }
0xb1: {  	_ =	task [dreg:s8], $0x5FFFF  }
0xb2: {  	[dreg:$0x1] =	wrdreg $0xFFFFFFFF  }
0xb3: {  	[dreg:$0x0] =	wrdreg $0x60  }
0xb4: {  	[dreg:$0x2] =	wrdreg s24  }
0xb5: {  	[dreg:$0x3] =	wrdreg s17  }
0xb6: {  	[dreg:$0x4] =	wrdreg s16  }
0xb7: {  	[dreg:$0x5] =	wrdreg $0xA8000  }
0xb8: {  	[dreg:$0x6] =	wrdreg $0x9  }
0xb9: {  	_ =	task.clear_ibuf [dreg:s8], $0x7FFFF;
	_ =	strace $0x90000049  }
0xba: {  	s29 =	simm.s32 $0x9;
	_ =	strace $0x8000004B  }
0xbb: {  	_ =	swait.ge [sflag:s29], $0x1  }
0xbc: {  	[sflag:s29] =	ssyncadd.s32 $0xFFFFFFFF  }
0xbd: {  	_ =	strace $0x9000004B  }
0xbe: {  	_ =	sfence  }
0xbf: {  	s30 =	sld [smem:$0x0];
	_ =	sdelay $0x2  }
0xc0: {  	s31 =	sshll.u32 s1, $0xD;
	s1 =	sshrl.u32 s1, $0x2  }
0xc1: {  	s3 =	sand.u32 $0x4000, s31;
	s1 =	sadd.s32 s1, s30  }
0xc2: {  	s0 =	sor.u32 s3, s0;
	s1 =	sshll.u32 s1, $0x11  }
0xc3: {  	s0 =	sor.u32 s1, s0  }
0xc4: {  	s0 =	sadd.s32 $0x8F2B, s0  }
0xc5: {  	[sflag:s0] =	ssyncadd.remote.s32 $0x1  }
0xc6: {  	_ =	sfence.sel $0xFFFF  }
0xc7: {  	[dreg:$0x0] =	wrdreg $0xFFFFFFFF;
	(pc) =	sbr.abs _section_cstart, $3  }
0xc8: {  	[dreg:$0x1] =	wrdreg $0xFFFFFFFF  }
0xc9: {  	_ =	task.clear_ibuf [dreg:s8], $0x2FFFF;
	_ =	strace $0x9FFFFFFF  }
0xca: {  	(tm) =	ssettm $0x7FFFFFFF  }
0xcb: {  	_ =	shalt  }
tec
execute0_lowered:
.L_overlay_start_1:
0x0: {  	(tag) =	ssettag $0x1  }
0x1: {  	s0 =	rddreg [dreg:$0x0]  }
0x2: {  	s3 =	rddreg [dreg:$0x1]  }
0x3: {  	s5 =	rddreg [dreg:$0x2]  }
0x4: {  	s1 =	rddreg [dreg:$0x3];
	s2 =	simm.s32 $0x0;
	s6 =	srdreg.scid  }
0x5: {  	s8 =	stileid.u32;
	s28 =	simm.s32 $0x2;
	s29 =	simm.s32 $0x1380  }
0x6: {  	s30 =	simm.s32 $0x2700;
	s31 =	simm.s32 $0x2780;
	[smem:$0x7FF] =	sst s2  }
0x7: {  	s4 =	sadd.s32 $0xCE00, s0;
	s10 =	sand.u32 $0x1, s6;
	s7 =	smul.u32 $0x50000, s8  }
0x8: {  	s14 =	sadd.s32 $0x2600, s0;
	s0 =	sadd.s32 $0xC600, s0;
	s13 =	smul.u32 $0x14000, s8  }
0x9: {  	s11 =	sshll.u32 s8, $0x1;
	_ =	strace $0x8000004A;
	s6 =	ssub.s32 $0x2, s10  }
0xa: {  	[dreg:$0x5] =	wrdreg s0;
	s8 =	sor.u32 s10, s11;
	s20 =	smul.u32 $0x140000, s10  }
0xb: {  	s9 =	sshrl.u32 s6, $0x1;
	s7 =	sshrl.u32 s7, $0x2;
	s15 =	sadd.s32 $0x4000, s13  }
0xc: {  	s17 =	sadd.s32 $0x8000, s13;
	s18 =	sadd.s32 $0xC000, s13;
	s11 =	smul.u32 $0x2800, s8  }
0xd: {  	s19 =	sadd.s32 $0x10000, s13;
	s0 =	ssub.s32 s6, s9;
	s6 =	sadd.s32 s7, s1  }
0xe: {  	s7 =	sadd.s32 s15, s1;
	s8 =	sadd.s32 s17, s1;
	s9 =	sadd.s32 s18, s1  }
0xf: {  	s10 =	sadd.s32 s19, s1;
	s21 =	sadd.s32 s13, s20;
	s15 =	sadd.s32 s20, s15  }
0x10: {  	s23 =	sadd.s32 s20, s17;
	s24 =	sadd.s32 s20, s18;
	s25 =	sadd.s32 s20, s19  }
0x11: {  	s16 =	sshrl.u32 s11, $0x3;
	s21 =	sshrl.u32 s21, $0x3;
	s22 =	sshrl.u32 s15, $0x3  }
0x12: {  	s26 =	sshrl.u32 s24, $0x3;
	s20 =	sshrl.u32 s25, $0x3;
	s24 =	simm.s32 $0x80  }
0x13: {  	s25 =	simm.s32 $0x6800;
	s11 =	sadd.s32 s3, s16;
	s12 =	sadd.s32 s14, s16  }
0x14: {  	s16 =	sadd.s32 $0x280, s16;
	s15 =	sadd.s32 s5, s21;
	s18 =	sadd.s32 s5, s26  }
0x15: {  	s19 =	sadd.s32 s5, s20;
	s20 =	smax.u32 s0, $0x1;
	s21 =	simm.s32 $0x2800  }
0x16: {  	s26 =	simm.s32 $0x1;
	s0 =	simm.s32 $0x0;
	[dreg:$0x6] =	wrdreg s11  }
0x17: {  	[dreg:$0x7] =	wrdreg s12;
	s3 =	sadd.s32 s3, s16;
	s14 =	sadd.s32 s14, s16  }
0x18: {  	s16 =	sadd.s32 s5, s22;
	[dreg:$0x8] =	wrdreg s3;
	s3 =	sshrl.u32 s23, $0x3  }
0x19: {  	s22 =	simm.s32 $0x3;
	s23 =	simm.s32 $0x1400;
	s17 =	sadd.s32 s5, s3  }
.LBB2_1:
0x1a: {  	s3 =	rddreg [dreg:$0x5]  }
0x1b: {  	[tilespmem:s21], [sflag:$0x3] =	stream.linear.gather [hbm4b:s3+s2], $0x4000, $0x38;
	[tilespmem:$0x1E800] =	vst v63  }
0x1c: {  	_ =	swait.ge [sflag:s22], $0x4000  }
0x1d: {  	[sflag:s22] =	ssyncset.done $0x0  }
0x1e: {  	[sflag:s22] =	ssyncadd.s32 $0xFFFFC000  }
0x1f: {  	[spmem:s6] =	stream.linear.scatter [tilespmem:s21], [sflag:$0x3], $0x4000, $0x38;
	[tilespmem:$0x1E800] =	vst v63  }
0x20: {  	_ =	swait.ge [sflag:s22], $0x4000  }
0x21: {  	[sflag:s22] =	ssyncset.done $0x0  }
0x22: {  	[sflag:s22] =	ssyncadd.s32 $0xFFFFC000  }
0x23: {  	[spmem:s7] =	stream.linear.scatter [tilespmem:s21], [sflag:$0x3], $0x4000, $0x38;
	[tilespmem:$0x1E800] =	vst v63  }
0x24: {  	_ =	swait.ge [sflag:s22], $0x4000  }
0x25: {  	[sflag:s22] =	ssyncset.done $0x0  }
0x26: {  	[sflag:s22] =	ssyncadd.s32 $0xFFFFC000  }
0x27: {  	[spmem:s8] =	stream.linear.scatter [tilespmem:s21], [sflag:$0x3], $0x4000, $0x38;
	[tilespmem:$0x1E800] =	vst v63  }
0x28: {  	_ =	swait.ge [sflag:s22], $0x4000  }
0x29: {  	[sflag:s22] =	ssyncset.done $0x0  }
0x2a: {  	[sflag:s22] =	ssyncadd.s32 $0xFFFFC000  }
0x2b: {  	[spmem:s9] =	stream.linear.scatter [tilespmem:s21], [sflag:$0x3], $0x4000, $0x38;
	[tilespmem:$0x1E800] =	vst v63  }
0x2c: {  	_ =	swait.ge [sflag:s22], $0x4000  }
0x2d: {  	[sflag:s22] =	ssyncset.done $0x0  }
0x2e: {  	[sflag:s22] =	ssyncadd.s32 $0xFFFFC000  }
0x2f: {  	[spmem:s10] =	stream.linear.scatter [tilespmem:s21], [sflag:$0x3], $0x4000, $0x38;
	[tilespmem:$0x1E800] =	vst v63  }
0x30: {  	_ =	swait.ge [sflag:s22], $0x4000  }
0x31: {  	[sflag:s22] =	ssyncset.done $0x0  }
0x32: {  	[sflag:s22] =	ssyncadd.s32 $0xFFFFC000  }
0x33: {  	[bflag:$0x0] =	sbarrier.arrive $0xFFFF  }
0x34: {  	s12 =	rddreg [dreg:$0x6]  }
0x35: {  	[tilespmem:s2], [sflag:$0x3] =	stream.linear.gather [hbm4b:s12+s2], $0x1400, $0x38;
	[tilespmem:$0x1E800] =	vst v63  }
0x36: {  	_ =	swait.ge [sflag:s22], $0x1400  }
0x37: {  	[sflag:s22] =	ssyncset.done $0x0  }
0x38: {  	s13 =	rddreg [dreg:$0x7];
	[sflag:s22] =	ssyncadd.s32 $0xFFFFEC00  }
0x39: {  	[tilespmem:s23], [sflag:$0x3] =	stream.linear.gather [hbm4b:s13+s2], $0x1400, $0x38;
	[tilespmem:$0x1E800] =	vst v63  }
0x3a: {  	_ =	swait.ge [sflag:s22], $0x1400  }
0x3b: {  	[sflag:s22] =	ssyncset.done $0x0  }
0x3c: {  	[sflag:s22] =	ssyncadd.s32 $0xFFFFEC00  }
0x3d: {  	[tilespmem:s21], [sflag:$0x1] =	stream.indirect.gather [hbm4b:s4+s24], $0x80, s2, s24, $0xb8;
	[tilespmem:$0x1E800] =	vst v63  }
0x3e: {  	s5 =	simm.s32 $0x80  }
0x3f: {  	[tilespmem:s25], [sflag:$0x2] =	stream.indirect.gather [hbm4b:s4+s24], $0x80, s5, s24, $0xb8;
	[tilespmem:$0x1E800] =	vst v63  }
0x40: {  	_ =	swait.ge [sflag:s26], $0x4000  }
0x41: {  	[sflag:s26] =	ssyncset.done $0x0  }
0x42: {  	s11 =	simm.s32 $0x1400;
	[sflag:s26] =	ssyncadd.s32 $0xFFFFC000  }
0x43: {  	[spmem:s1] =	stream.indirect.scatter.add.f32 [tilespmem:s21], [sflag:$0x3], $0x80, s11, s24, $0xb8;
	[tilespmem:$0x1E800] =	vst v63  }
0x44: {  	_ =	swait.ge [sflag:s22], $0x4000  }
0x45: {  	[sflag:s22] =	ssyncset.done $0x0  }
0x46: {  	s12 =	simm.s32 $0x100;
	[sflag:s22] =	ssyncadd.s32 $0xFFFFC000  }
0x47: {  	[tilespmem:s21], [sflag:$0x1] =	stream.indirect.gather [hbm4b:s4+s24], $0x80, s12, s24, $0xb8;
	[tilespmem:$0x1E800] =	vst v63  }
0x48: {  	_ =	swait.ge [sflag:s28], $0x4000  }
0x49: {  	[sflag:s28] =	ssyncset.done $0x0  }
0x4a: {  	s13 =	simm.s32 $0x1480;
	[sflag:s28] =	ssyncadd.s32 $0xFFFFC000  }
0x4b: {  	[spmem:s1] =	stream.indirect.scatter.add.f32 [tilespmem:s25], [sflag:$0x3], $0x80, s13, s24, $0xb8;
	[tilespmem:$0x1E800] =	vst v63  }
0x4c: {  	_ =	swait.ge [sflag:s22], $0x4000  }
0x4d: {  	s3 =	simm.s32 $0x100;
	s5 =	simm.s32 $0x800;
	[sflag:s22] =	ssyncset.done $0x0  }
.LBB2_2:
0x4e: {  	s11 =	sadd.s32 $0x80, s3  }
0x4f: {  	[sflag:s22] =	ssyncadd.s32 $0xFFFFC000;
	s12 =	smov.u32 s5;
	s13 =	sadd.s32 $0x400, s5  }
0x50: {  	[tilespmem:s25], [sflag:$0x2] =	stream.indirect.gather [hbm4b:s4+s24], $0x80, s11, s24, $0xb8;
	[tilespmem:$0x1E800] =	vst v63  }
0x51: {  	p0 =	sne.s32 s5, $0x4800;
	_ =	swait.ge [sflag:s26], $0x4000  }
0x52: {  	[sflag:s26] =	ssyncset.done $0x0  }
0x53: {  	s5 =	sadd.s32 $0x1400, s3;
	[sflag:s26] =	ssyncadd.s32 $0xFFFFC000  }
0x54: {  	[spmem:s1] =	stream.indirect.scatter.add.f32 [tilespmem:s21], [sflag:$0x3], $0x80, s5, s24, $0xb8;
	[tilespmem:$0x1E800] =	vst v63  }
0x55: {  	_ =	swait.ge [sflag:s22], $0x4000  }
0x56: {  	[sflag:s22] =	ssyncset.done $0x0  }
0x57: {  	s5 =	sadd.s32 $0x100, s3;
	[sflag:s22] =	ssyncadd.s32 $0xFFFFC000  }
0x58: {  	[tilespmem:s21], [sflag:$0x1] =	stream.indirect.gather [hbm4b:s4+s24], $0x80, s5, s24, $0xb8;
	[tilespmem:$0x1E800] =	vst v63  }
0x59: {  	_ =	swait.ge [sflag:s28], $0x4000  }
.Ltmp0:
0x5a: {  	[sflag:s28] =	ssyncset.done $0x0;
	(pc) =	sbr.rel @p0 .LBB2_2-.Ltmp0, $4  }
0x5b: {  	s3 =	sadd.s32 $0x1480, s3;
	[sflag:s28] =	ssyncadd.s32 $0xFFFFC000  }
0x5c: {  	[spmem:s1] =	stream.indirect.scatter.add.f32 [tilespmem:s25], [sflag:$0x3], $0x80, s3, s24, $0xb8;
	[tilespmem:$0x1E800] =	vst v63  }
0x5d: {  	_ =	swait.ge [sflag:s22], $0x4000  }
0x5e: {  	s5 =	smov.u32 s13;
	s3 =	sshra.s32 s12, $0x2;
	[sflag:s22] =	ssyncset.done $0x0  }
0x5f: {  	s5 =	sadd.s32 $0x80, s3;
	[sflag:s22] =	ssyncadd.s32 $0xFFFFC000  }
0x60: {  	[tilespmem:s25], [sflag:$0x2] =	stream.indirect.gather [hbm4b:s4+s24], $0x80, s5, s24, $0xb8;
	[tilespmem:$0x1E800] =	vst v63  }
0x61: {  	_ =	swait.ge [sflag:s26], $0x4000  }
0x62: {  	[sflag:s26] =	ssyncset.done $0x0  }
0x63: {  	s12 =	sadd.s32 $0x1400, s3;
	[sflag:s26] =	ssyncadd.s32 $0xFFFFC000  }
0x64: {  	[spmem:s1] =	stream.indirect.scatter.add.f32 [tilespmem:s21], [sflag:$0x3], $0x80, s12, s24, $0xb8;
	[tilespmem:$0x1E800] =	vst v63  }
0x65: {  	_ =	swait.ge [sflag:s22], $0x4000  }
0x66: {  	[sflag:s22] =	ssyncset.done $0x0  }
0x67: {  	s13 =	sadd.s32 $0x100, s3;
	[sflag:s22] =	ssyncadd.s32 $0xFFFFC000  }
0x68: {  	[tilespmem:s21], [sflag:$0x1] =	stream.indirect.gather [hbm4b:s4+s24], $0x80, s13, s24, $0xb8;
	[tilespmem:$0x1E800] =	vst v63  }
0x69: {  	_ =	swait.ge [sflag:s28], $0x4000  }
0x6a: {  	[sflag:s28] =	ssyncset.done $0x0  }
0x6b: {  	s11 =	sadd.s32 $0x1480, s3;
	[sflag:s28] =	ssyncadd.s32 $0xFFFFC000  }
0x6c: {  	[spmem:s1] =	stream.indirect.scatter.add.f32 [tilespmem:s25], [sflag:$0x3], $0x80, s11, s24, $0xb8;
	[tilespmem:$0x1E800] =	vst v63  }
0x6d: {  	_ =	swait.ge [sflag:s22], $0x4000  }
0x6e: {  	[sflag:s22] =	ssyncset.done $0x0  }
0x6f: {  	[sflag:s22] =	ssyncadd.s32 $0xFFFFC000  }
0x70: {  	[tilespmem:s25], [sflag:$0x2] =	stream.indirect.gather [hbm4b:s4+s24], $0x80, s29, s24, $0xb8;
	[tilespmem:$0x1E800] =	vst v63  }
0x71: {  	_ =	swait.ge [sflag:s26], $0x4000  }
0x72: {  	[sflag:s26] =	ssyncset.done $0x0  }
0x73: {  	[sflag:s26] =	ssyncadd.s32 $0xFFFFC000  }
0x74: {  	[spmem:s1] =	stream.indirect.scatter.add.f32 [tilespmem:s21], [sflag:$0x3], $0x80, s30, s24, $0xb8;
	[tilespmem:$0x1E800] =	vst v63  }
0x75: {  	_ =	swait.ge [sflag:s22], $0x4000  }
0x76: {  	[sflag:s22] =	ssyncset.done $0x0  }
0x77: {  	[sflag:s22] =	ssyncadd.s32 $0xFFFFC000  }
0x78: {  	_ =	swait.ge [sflag:s28], $0x4000  }
0x79: {  	[sflag:s28] =	ssyncset.done $0x0  }
0x7a: {  	[sflag:s28] =	ssyncadd.s32 $0xFFFFC000  }
0x7b: {  	[spmem:s1] =	stream.indirect.scatter.add.f32 [tilespmem:s25], [sflag:$0x3], $0x80, s31, s24, $0xb8;
	[tilespmem:$0x1E800] =	vst v63  }
0x7c: {  	_ =	swait.ge [sflag:s22], $0x4000  }
0x7d: {  	[sflag:s22] =	ssyncset.done $0x0  }
0x7e: {  	s12 =	simm.s32 $0x0;
	s13 =	rddreg [dreg:$0x8];
	[sflag:s22] =	ssyncadd.s32 $0xFFFFC000  }
0x7f: {  	[tilespmem:s12], [sflag:$0x3] =	stream.linear.gather [hbm4b:s13+s12], $0x1400, $0x38;
	[tilespmem:$0x1E800] =	vst v63  }
0x80: {  	_ =	swait.ge [sflag:s22], $0x1400  }
0x81: {  	[sflag:s22] =	ssyncset.done $0x0  }
0x82: {  	[sflag:s22] =	ssyncadd.s32 $0xFFFFEC00  }
0x83: {  	[tilespmem:s23], [sflag:$0x3] =	stream.linear.gather [hbm4b:s14+s12], $0x1400, $0x38;
	[tilespmem:$0x1E800] =	vst v63  }
0x84: {  	_ =	swait.ge [sflag:s22], $0x1400  }
0x85: {  	[sflag:s22] =	ssyncset.done $0x0  }
0x86: {  	[sflag:s22] =	ssyncadd.s32 $0xFFFFEC00  }
0x87: {  	[tilespmem:s21], [sflag:$0x1] =	stream.indirect.gather [hbm4b:s4+s24], $0x80, s12, s24, $0xb8;
	[tilespmem:$0x1E800] =	vst v63  }
0x88: {  	s5 =	simm.s32 $0x80  }
0x89: {  	[tilespmem:s25], [sflag:$0x2] =	stream.indirect.gather [hbm4b:s4+s24], $0x80, s5, s24, $0xb8;
	[tilespmem:$0x1E800] =	vst v63  }
0x8a: {  	_ =	swait.ge [sflag:s26], $0x4000  }
0x8b: {  	[sflag:s26] =	ssyncset.done $0x0  }
0x8c: {  	s11 =	simm.s32 $0x1400;
	[sflag:s26] =	ssyncadd.s32 $0xFFFFC000  }
0x8d: {  	[spmem:s1] =	stream.indirect.scatter.add.f32 [tilespmem:s21], [sflag:$0x3], $0x80, s11, s24, $0xb8;
	[tilespmem:$0x1E800] =	vst v63  }
0x8e: {  	_ =	swait.ge [sflag:s22], $0x4000  }
0x8f: {  	[sflag:s22] =	ssyncset.done $0x0  }
0x90: {  	s12 =	simm.s32 $0x100;
	[sflag:s22] =	ssyncadd.s32 $0xFFFFC000  }
0x91: {  	[tilespmem:s21], [sflag:$0x1] =	stream.indirect.gather [hbm4b:s4+s24], $0x80, s12, s24, $0xb8;
	[tilespmem:$0x1E800] =	vst v63  }
0x92: {  	_ =	swait.ge [sflag:s28], $0x4000  }
0x93: {  	[sflag:s28] =	ssyncset.done $0x0  }
0x94: {  	s13 =	simm.s32 $0x1480;
	[sflag:s28] =	ssyncadd.s32 $0xFFFFC000  }
0x95: {  	[spmem:s1] =	stream.indirect.scatter.add.f32 [tilespmem:s25], [sflag:$0x3], $0x80, s13, s24, $0xb8;
	[tilespmem:$0x1E800] =	vst v63  }
0x96: {  	_ =	swait.ge [sflag:s22], $0x4000  }
0x97: {  	s3 =	simm.s32 $0x100;
	s5 =	simm.s32 $0x800;
	[sflag:s22] =	ssyncset.done $0x0  }
.LBB2_4:
0x98: {  	s11 =	sadd.s32 $0x80, s3  }
0x99: {  	[sflag:s22] =	ssyncadd.s32 $0xFFFFC000;
	s12 =	smov.u32 s5;
	s13 =	sadd.s32 $0x400, s5  }
0x9a: {  	[tilespmem:s25], [sflag:$0x2] =	stream.indirect.gather [hbm4b:s4+s24], $0x80, s11, s24, $0xb8;
	[tilespmem:$0x1E800] =	vst v63  }
0x9b: {  	p0 =	sne.s32 s5, $0x4800;
	_ =	swait.ge [sflag:s26], $0x4000  }
0x9c: {  	[sflag:s26] =	ssyncset.done $0x0  }
0x9d: {  	s5 =	sadd.s32 $0x1400, s3;
	[sflag:s26] =	ssyncadd.s32 $0xFFFFC000  }
0x9e: {  	[spmem:s1] =	stream.indirect.scatter.add.f32 [tilespmem:s21], [sflag:$0x3], $0x80, s5, s24, $0xb8;
	[tilespmem:$0x1E800] =	vst v63  }
0x9f: {  	_ =	swait.ge [sflag:s22], $0x4000  }
0xa0: {  	[sflag:s22] =	ssyncset.done $0x0  }
0xa1: {  	s5 =	sadd.s32 $0x100, s3;
	[sflag:s22] =	ssyncadd.s32 $0xFFFFC000  }
0xa2: {  	[tilespmem:s21], [sflag:$0x1] =	stream.indirect.gather [hbm4b:s4+s24], $0x80, s5, s24, $0xb8;
	[tilespmem:$0x1E800] =	vst v63  }
0xa3: {  	_ =	swait.ge [sflag:s28], $0x4000  }
.Ltmp1:
0xa4: {  	[sflag:s28] =	ssyncset.done $0x0;
	(pc) =	sbr.rel @p0 .LBB2_4-.Ltmp1, $4  }
0xa5: {  	s3 =	sadd.s32 $0x1480, s3;
	[sflag:s28] =	ssyncadd.s32 $0xFFFFC000  }
0xa6: {  	[spmem:s1] =	stream.indirect.scatter.add.f32 [tilespmem:s25], [sflag:$0x3], $0x80, s3, s24, $0xb8;
	[tilespmem:$0x1E800] =	vst v63  }
0xa7: {  	_ =	swait.ge [sflag:s22], $0x4000  }
0xa8: {  	s5 =	smov.u32 s13;
	s3 =	sshra.s32 s12, $0x2;
	[sflag:s22] =	ssyncset.done $0x0  }
0xa9: {  	s5 =	sadd.s32 $0x80, s3;
	[sflag:s22] =	ssyncadd.s32 $0xFFFFC000  }
0xaa: {  	[tilespmem:s25], [sflag:$0x2] =	stream.indirect.gather [hbm4b:s4+s24], $0x80, s5, s24, $0xb8;
	[tilespmem:$0x1E800] =	vst v63  }
0xab: {  	_ =	swait.ge [sflag:s26], $0x4000  }
0xac: {  	[sflag:s26] =	ssyncset.done $0x0  }
0xad: {  	s11 =	sadd.s32 $0x1400, s3;
	[sflag:s26] =	ssyncadd.s32 $0xFFFFC000  }
0xae: {  	[spmem:s1] =	stream.indirect.scatter.add.f32 [tilespmem:s21], [sflag:$0x3], $0x80, s11, s24, $0xb8;
	[tilespmem:$0x1E800] =	vst v63  }
0xaf: {  	_ =	swait.ge [sflag:s22], $0x4000  }
0xb0: {  	[sflag:s22] =	ssyncset.done $0x0  }
0xb1: {  	s12 =	sadd.s32 $0x100, s3;
	[sflag:s22] =	ssyncadd.s32 $0xFFFFC000  }
0xb2: {  	[tilespmem:s21], [sflag:$0x1] =	stream.indirect.gather [hbm4b:s4+s24], $0x80, s12, s24, $0xb8;
	[tilespmem:$0x1E800] =	vst v63  }
0xb3: {  	_ =	swait.ge [sflag:s28], $0x4000  }
0xb4: {  	[sflag:s28] =	ssyncset.done $0x0  }
0xb5: {  	s13 =	sadd.s32 $0x1480, s3;
	[sflag:s28] =	ssyncadd.s32 $0xFFFFC000  }
0xb6: {  	[spmem:s1] =	stream.indirect.scatter.add.f32 [tilespmem:s25], [sflag:$0x3], $0x80, s13, s24, $0xb8;
	[tilespmem:$0x1E800] =	vst v63  }
0xb7: {  	_ =	swait.ge [sflag:s22], $0x4000  }
0xb8: {  	[sflag:s22] =	ssyncset.done $0x0  }
0xb9: {  	[sflag:s22] =	ssyncadd.s32 $0xFFFFC000  }
0xba: {  	[tilespmem:s25], [sflag:$0x2] =	stream.indirect.gather [hbm4b:s4+s24], $0x80, s29, s24, $0xb8;
	[tilespmem:$0x1E800] =	vst v63  }
0xbb: {  	_ =	swait.ge [sflag:s26], $0x4000  }
0xbc: {  	[sflag:s26] =	ssyncset.done $0x0  }
0xbd: {  	[sflag:s26] =	ssyncadd.s32 $0xFFFFC000  }
0xbe: {  	[spmem:s1] =	stream.indirect.scatter.add.f32 [tilespmem:s21], [sflag:$0x3], $0x80, s30, s24, $0xb8;
	[tilespmem:$0x1E800] =	vst v63  }
0xbf: {  	_ =	swait.ge [sflag:s22], $0x4000  }
0xc0: {  	[sflag:s22] =	ssyncset.done $0x0  }
0xc1: {  	[sflag:s22] =	ssyncadd.s32 $0xFFFFC000  }
0xc2: {  	_ =	swait.ge [sflag:s28], $0x4000  }
0xc3: {  	[sflag:s28] =	ssyncset.done $0x0  }
0xc4: {  	[sflag:s28] =	ssyncadd.s32 $0xFFFFC000  }
0xc5: {  	[spmem:s1] =	stream.indirect.scatter.add.f32 [tilespmem:s25], [sflag:$0x3], $0x80, s31, s24, $0xb8;
	[tilespmem:$0x1E800] =	vst v63  }
0xc6: {  	_ =	swait.ge [sflag:s22], $0x4000  }
0xc7: {  	[sflag:s22] =	ssyncset.done $0x0  }
0xc8: {  	[sflag:s22] =	ssyncadd.s32 $0xFFFFC000  }
0xc9: {  	[bflag:$0x0] =	sbarrier.arrive $0xFFFF  }
0xca: {  	[tilespmem:s21], [sflag:$0x3] =	stream.linear.gather [spmem:s6], $0x4000, $0x38;
	[tilespmem:$0x1E800] =	vst v63  }
0xcb: {  	_ =	swait.ge [sflag:s22], $0x4000  }
0xcc: {  	[sflag:s22] =	ssyncset.done $0x0  }
0xcd: {  	[sflag:s22] =	ssyncadd.s32 $0xFFFFC000  }
0xce: {  	[hbm4b:s15+s2] =	stream.linear.scatter [tilespmem:s21], [sflag:$0x3], $0x4000, $0x38;
	[tilespmem:$0x1E800] =	vst v63  }
0xcf: {  	_ =	swait.ge [sflag:s22], $0x4000  }
0xd0: {  	[sflag:s22] =	ssyncset.done $0x0  }
0xd1: {  	[sflag:s22] =	ssyncadd.s32 $0xFFFFC000  }
0xd2: {  	[tilespmem:s21], [sflag:$0x3] =	stream.linear.gather [spmem:s7], $0x4000, $0x38;
	[tilespmem:$0x1E800] =	vst v63  }
0xd3: {  	_ =	swait.ge [sflag:s22], $0x4000  }
0xd4: {  	[sflag:s22] =	ssyncset.done $0x0  }
0xd5: {  	[sflag:s22] =	ssyncadd.s32 $0xFFFFC000  }
0xd6: {  	[hbm4b:s16+s2] =	stream.linear.scatter [tilespmem:s21], [sflag:$0x3], $0x4000, $0x38;
	[tilespmem:$0x1E800] =	vst v63  }
0xd7: {  	_ =	swait.ge [sflag:s22], $0x4000  }
0xd8: {  	[sflag:s22] =	ssyncset.done $0x0  }
0xd9: {  	[sflag:s22] =	ssyncadd.s32 $0xFFFFC000  }
0xda: {  	[tilespmem:s21], [sflag:$0x3] =	stream.linear.gather [spmem:s8], $0x4000, $0x38;
	[tilespmem:$0x1E800] =	vst v63  }
0xdb: {  	_ =	swait.ge [sflag:s22], $0x4000  }
0xdc: {  	[sflag:s22] =	ssyncset.done $0x0  }
0xdd: {  	[sflag:s22] =	ssyncadd.s32 $0xFFFFC000  }
0xde: {  	[hbm4b:s17+s2] =	stream.linear.scatter [tilespmem:s21], [sflag:$0x3], $0x4000, $0x38;
	[tilespmem:$0x1E800] =	vst v63  }
0xdf: {  	_ =	swait.ge [sflag:s22], $0x4000  }
0xe0: {  	[sflag:s22] =	ssyncset.done $0x0  }
0xe1: {  	[sflag:s22] =	ssyncadd.s32 $0xFFFFC000  }
0xe2: {  	[tilespmem:s21], [sflag:$0x3] =	stream.linear.gather [spmem:s9], $0x4000, $0x38;
	[tilespmem:$0x1E800] =	vst v63  }
0xe3: {  	_ =	swait.ge [sflag:s22], $0x4000  }
0xe4: {  	[sflag:s22] =	ssyncset.done $0x0  }
0xe5: {  	[sflag:s22] =	ssyncadd.s32 $0xFFFFC000  }
0xe6: {  	[hbm4b:s18+s2] =	stream.linear.scatter [tilespmem:s21], [sflag:$0x3], $0x4000, $0x38;
	[tilespmem:$0x1E800] =	vst v63  }
0xe7: {  	_ =	swait.ge [sflag:s22], $0x4000  }
0xe8: {  	[sflag:s22] =	ssyncset.done $0x0  }
0xe9: {  	[sflag:s22] =	ssyncadd.s32 $0xFFFFC000  }
0xea: {  	[tilespmem:s21], [sflag:$0x3] =	stream.linear.gather [spmem:s10], $0x4000, $0x38;
	[tilespmem:$0x1E800] =	vst v63  }
0xeb: {  	s0 =	sadd.s32 $0x1, s0;
	_ =	swait.ge [sflag:s22], $0x4000  }
0xec: {  	p0 =	sne.s32 s0, s20;
	[sflag:s22] =	ssyncset.done $0x0  }
.Ltmp2:
0xed: {  	[sflag:s22] =	ssyncadd.s32 $0xFFFFC000;
	(pc) =	sbr.rel @p0 .LBB2_1-.Ltmp2, $4  }
0xee: {  	[hbm4b:s19+s2] =	stream.linear.scatter [tilespmem:s21], [sflag:$0x3], $0x4000, $0x38;
	[tilespmem:$0x1E800] =	vst v63  }
0xef: {  	_ =	swait.ge [sflag:s22], $0x4000  }
0xf0: {  	[sflag:s22] =	ssyncset.done $0x0  }
0xf1: {  	[sflag:s22] =	ssyncadd.s32 $0xFFFFC000  }
0xf2: {  	_ =	sfence.sel $0x180000  }
0xf3: {  	[bflag:$0x0] =	sbarrier.arrive $0xFFFF  }
0xf4: {  	_ =	strace $0x9000004A  }
0xf5: {  	s0 =	stileid.u32;
	[bflag:$0x2] =	sbarrier.arrive $0xFFFF  }
0xf6: {  	p0 =	sne.s32 s0, $0x0;
	s0 =	rddreg [dreg:$0x4]  }
0xf7: {  	s0 =	sadd.s32 @!p0 $0x100000, s0  }
0xf8: {  	[sflag:s0] =	ssyncadd.tile.s32 @!p0 $0x1;
	_ =	shalt  }
.Lfunc_end2:
_tile_overlayer_lowered:
.L_overlay_start_2:
0xf9: {  	(tag) =	ssettag $0x2  }
0xfa: {  	s0 =	rddreg [dreg:$0x0];
	s2 =	stileid.u32  }
0xfb: {  	s1 =	rddreg [dreg:$0x1];
	p0 =	sne.s32 s2, $0x0  }
0xfc: {  	s3 =	rddreg [dreg:$0x2];
	[bflag:$0x3] =	sbarrier.arrive $0xFFFF;
	s2 =	simm.s32 @!p0 $0x1C03  }
0xfd: {  	[timem:s3], [sflag:s2] =	dma.local @!p0 [hbm:s0], s1  }
0xfe: {  	s0 =	simm.s32 @!p0 $0x3  }
0xff: {  	_ =	swait.ge @!p0 [sflag:s0], s1  }
0x100: {  	s1 =	ssub.s32 @!p0 $0x0, s1;
	[sflag:s0] =	ssyncset.done @!p0 $0x0  }
0x101: {  	[sflag:s0] =	ssyncadd.s32 @!p0 s1  }
0x102: {  	[bflag:$0x3] =	sbarrier.arrive $0xFFFF  }
0x103: {  	_ =	shalt  }

</sc_bundles>
